<compile_context>
chip_gen: v7x
topology: tpu7x:2x2x1
jax: 0.10.2.dev20260603
libtpu: 0.0.44.dev20260713+nightly
codegen_flags: <defaults>
</compile_context>

<pallas_src>
import jax
import jax.numpy as jnp
from jax import lax
from jax.experimental import pallas as pl
from jax.experimental.pallas import tpu as pltpu
from jax.experimental.pallas import tpu_sc as plsc

_H = 256
_W = 256
_RADIUS_RX = 1.0
_SCALE_DIS = 1.5
_WAVELENGTH = 0.1

_N = 500000
_COLS = 512
_PAD_ROWS = 1024
_NPADC = _PAD_ROWS * _COLS - _N
_BLK = 64
_GRID = _PAD_ROWS // _BLK

_NW = 32
_CROWS = _PAD_ROWS // _NW
_OC = 512
_PR = 512
_PC = 128
_PIXV = _PR * _PC


_BLKC = _BLK * _COLS


def _tc_body(rx_ref, tx_ref, m_ref, cov_ref, sig_ref, att_ref, rad_ref,
             idx_ref, re_ref, im_ref):
    i = pl.program_id(0)
    mx = m_ref[0].reshape(_BLK, _COLS)
    my = m_ref[1].reshape(_BLK, _COLS)
    mz = m_ref[2].reshape(_BLK, _COLS)
    dx = mx - rx_ref[0]
    dy = my - rx_ref[1]
    dz = mz - rx_ref[2]
    d_rx = jnp.sqrt(dx * dx + dy * dy + dz * dz)
    ex = mx - tx_ref[0]
    ey = my - tx_ref[1]
    ez = mz - tx_ref[2]
    d_tx = jnp.sqrt(ex * ex + ey * ey + ez * ez)
    total = d_rx + d_tx

    att = att_ref[0].reshape(_BLK, _COLS)
    amp = jnp.exp(-att * total) / jnp.maximum(total, 1e-6)
    phase = 2.0 * jnp.pi * total / _WAVELENGTH
    c = jnp.cos(phase)
    s = jnp.sin(phase)
    sr = sig_ref[0].reshape(_BLK, _COLS)
    si = sig_ref[1].reshape(_BLK, _COLS)
    re = amp * (sr * c - si * s)
    im = amp * (sr * s + si * c)

    c2 = (cov_ref[0].reshape(_BLK, _COLS) ** 2
          + cov_ref[1].reshape(_BLK, _COLS) ** 2
          + cov_ref[2].reshape(_BLK, _COLS) ** 2
          + cov_ref[3].reshape(_BLK, _COLS) ** 2
          + cov_ref[4].reshape(_BLK, _COLS) ** 2
          + cov_ref[5].reshape(_BLK, _COLS) ** 2)
    rad = rad_ref[0].reshape(_BLK, _COLS)
    weight = jnp.exp(-0.5 * c2 / (rad * rad + 1e-6))
    scale = jnp.where(d_rx > _RADIUS_RX * _SCALE_DIS, weight, 0.0)

    az = jnp.arctan2(dy, dx)
    t = jnp.clip(dz / jnp.maximum(d_rx, 1e-6), -1.0, 1.0)
    el = 2.0 * jnp.arctan2(t, 1.0 + jnp.sqrt(1.0 - t * t))
    u = jnp.clip(((az + jnp.pi) / (2.0 * jnp.pi) * _W).astype(jnp.int32),
                 0, _W - 1)
    v = jnp.clip(((el + jnp.pi / 2.0) / jnp.pi * _H).astype(jnp.int32),
                 0, _H - 1)

    g = (i * _BLKC + 512 * lax.broadcasted_iota(jnp.int32, (_BLK, _COLS), 0)
         + lax.broadcasted_iota(jnp.int32, (_BLK, _COLS), 1))
    valid = g < _N
    idx_ref[...] = jnp.where(valid, v * _W + u, 0)
    re_ref[...] = jnp.where(valid, re * scale, 0.0)
    im_ref[...] = jnp.where(valid, im * scale, 0.0)


def _in_map(i):
    return (0, i)


def _in_map2(i):
    return (i, 0)


_tc_call = pl.pallas_call(
    _tc_body,
    grid=(_GRID,),
    in_specs=[
        pl.BlockSpec(memory_space=pltpu.SMEM),
        pl.BlockSpec(memory_space=pltpu.SMEM),
        pl.BlockSpec((3, _BLKC), _in_map),
        pl.BlockSpec((6, _BLKC), _in_map),
        pl.BlockSpec((2, _BLKC), _in_map),
        pl.BlockSpec((1, _BLKC), _in_map),
        pl.BlockSpec((1, _BLKC), _in_map),
    ],
    out_specs=[
        pl.BlockSpec((_BLK, _OC), lambda i: (i, 0)),
        pl.BlockSpec((_BLK, _OC), lambda i: (i, 0)),
        pl.BlockSpec((_BLK, _OC), lambda i: (i, 0)),
    ],
    out_shape=[
        jax.ShapeDtypeStruct((_PAD_ROWS, _OC), jnp.int32),
        jax.ShapeDtypeStruct((_PAD_ROWS, _OC), jnp.float32),
        jax.ShapeDtypeStruct((_PAD_ROWS, _OC), jnp.float32),
    ],
    compiler_params=pltpu.CompilerParams(
        allow_input_fusion=[False, False, True, True, True, True, True]),
)


def _sc_body(idx_hbm, re_hbm, im_hbm, out_hbm,
             idx_v, re_v, im_v, plane_v, rows_v, accum_a, accum_b,
             sem_i, sem_r, sem_m):
    c = lax.axis_index("c")
    s = lax.axis_index("s")
    wid = c * 16 + s
    base = wid * _CROWS

    cp_i = pltpu.async_copy(idx_hbm.at[pl.ds(base, _CROWS)], idx_v, sem_i)
    cp_r = pltpu.async_copy(re_hbm.at[pl.ds(base, _CROWS)], re_v, sem_r)
    cp_m = pltpu.async_copy(im_hbm.at[pl.ds(base, _CROWS)], im_v, sem_m)

    zeros16f = jnp.zeros((16,), jnp.float32)

    def zero_plane():
        @plsc.parallel_loop(0, _PR * 8, unroll=8)
        def _(k):
            plane_v[k >> 3, pl.ds((k & 7) * 16, 16)] = zeros16f

    zero_plane()

    @plsc.parallel_loop(0, _PR // 16, unroll=4)
    def _(k):
        rows_v[pl.ds(k * 16, 16)] = lax.iota(jnp.int32, 16) + k * 16

    @pl.when(s == 0)
    def _():
        pltpu.sync_copy(plane_v, accum_a)
        pltpu.sync_copy(plane_v, accum_b)

    plsc.subcore_barrier()
    cp_i.wait()
    cp_r.wait()

    def scatter_pass(val_v):
        @plsc.parallel_loop(0, _CROWS * (_OC // 16), unroll=8)
        def _(t):
            r = t >> 5
            q = lax.bitwise_and(t, 31) * 16
            iv = idx_v[r, pl.ds(q, 16)]
            hi = lax.shift_right_logical(iv, 7)
            lo = lax.bitwise_and(iv, 127)
            rv = val_v[r, pl.ds(q, 16)]
            plsc.addupdate_scatter(plane_v, [hi, lo], rv)

    scatter_pass(re_v)
    pltpu.sync_copy(plane_v, accum_a.at[rows_v], add=True)

    zero_plane()
    cp_m.wait()
    scatter_pass(im_v)
    pltpu.sync_copy(plane_v, accum_b.at[rows_v], add=True)

    plsc.subcore_barrier()

    orow = s * (_PR // 16)
    pltpu.sync_copy(accum_a.at[pl.ds(orow, _PR // 16)],
                    out_hbm.at[c, 0, pl.ds(orow, _PR // 16)])
    pltpu.sync_copy(accum_b.at[pl.ds(orow, _PR // 16)],
                    out_hbm.at[c, 1, pl.ds(orow, _PR // 16)])


_sc_call_cache = []


def _sc_call(idx, re, im):
    if not _sc_call_cache:
        _sc_call_cache.append(pl.kernel(
            _sc_body,
            out_type=jax.ShapeDtypeStruct((2, 2, _PR, _PC), jnp.float32),
            mesh=plsc.VectorSubcoreMesh(core_axis_name="c",
                                        subcore_axis_name="s"),
            compiler_params=pltpu.CompilerParams(needs_layout_passes=False),
            scratch_types=[
                pltpu.VMEM((_CROWS, _OC), jnp.int32),
                pltpu.VMEM((_CROWS, _OC), jnp.float32),
                pltpu.VMEM((_CROWS, _OC), jnp.float32),
                pltpu.VMEM((_PR, _PC), jnp.float32),
                pltpu.VMEM((_PR,), jnp.int32),
                pltpu.VMEM_SHARED((_PR, _PC), jnp.float32),
                pltpu.VMEM_SHARED((_PR, _PC), jnp.float32),
                pltpu.SemaphoreType.DMA,
                pltpu.SemaphoreType.DMA,
                pltpu.SemaphoreType.DMA,
            ],
        ))
    return _sc_call_cache[0](idx, re, im)


def kernel(means_3d, cov3d_precomp, signal_precomp, attenuation, gaus_radii,
           rx_pos, tx_pos, bg):
    mt = means_3d.T
    ct = cov3d_precomp.T
    st = signal_precomp.T
    att = attenuation[None, :]
    rad = gaus_radii[None, :]
    idx, re, im = _tc_call(rx_pos, tx_pos, mt, ct, st, att, rad)
    partial = _sc_call(idx, re, im)
    planes = partial[0] + partial[1]
    img = planes.reshape(2, _H, _W).transpose(1, 2, 0)
    return img + bg[None, None, :]

# --- scband reference (transcript-rebuilt; emitter-appended) ---
"""Pipeline reference for scband-complex-gaussian-tracer-25151328485676 (READ-ONLY COPY).

The authoritative reference and input builder live on the scoring server;
editing this copy changes nothing except your own understanding.
"""

import jax, jax.numpy as jnp
import numpy as np

H = 256
W = 256
RADIUS_RX = 1.0
SCALE_DIS = 1.5
WAVELENGTH = 0.1
N = 500000


def setup_inputs(seed: int = 0) -> dict:
    key = jax.random.key(seed)
    k1, k2, k3, k4, k5 = jax.random.split(key, 5)
    means_3d = jax.random.normal(k1, (N, 3), dtype=jnp.float32) * 10.0
    cov3d_precomp = jax.random.uniform(k2, (N, 6), dtype=jnp.float32)
    signal_precomp = jax.random.normal(k3, (N, 2), dtype=jnp.float32)
    attenuation = jax.random.uniform(k4, (N,), dtype=jnp.float32)
    gaus_radii = jax.random.uniform(k5, (N,), dtype=jnp.float32) * 0.5 + 0.1
    rx_pos = jnp.zeros((3,), dtype=jnp.float32)
    tx_pos = jnp.array([5.0, 0.0, 0.0], dtype=jnp.float32)
    bg = jnp.zeros((2,), dtype=jnp.float32)
    return {
        "means_3d": means_3d,
        "cov3d_precomp": cov3d_precomp,
        "signal_precomp": signal_precomp,
        "attenuation": attenuation,
        "gaus_radii": gaus_radii,
        "rx_pos": rx_pos,
        "tx_pos": tx_pos,
        "bg": bg,
    }


def reference(means_3d, cov3d_precomp, signal_precomp, attenuation, gaus_radii, rx_pos, tx_pos, bg):
    # 1) distance-based culling around the receiver (as in the torch forward),
    #    realized as a multiplicative 0/1 mask so shapes stay static under jit.
    diff = means_3d - rx_pos[None, :]
    dist_rx = jnp.linalg.norm(diff, axis=1)
    keep = (dist_rx > RADIUS_RX * SCALE_DIS).astype(means_3d.dtype)

    # 2) complex gaussian tracing surrogate of _C.tracer_complex_gaussians:
    #    per-gaussian complex contribution = signal * attenuation-decayed
    #    free-space amplitude with propagation phase over the tx->gaussian->rx path,
    #    splatted (scatter-add) onto an HxW angular image around rx.
    dist_tx = jnp.linalg.norm(means_3d - tx_pos[None, :], axis=1)
    total_path = dist_rx + dist_tx
    amp = jnp.exp(-attenuation * total_path) / jnp.maximum(total_path, 1e-6)
    phase = 2.0 * jnp.pi * total_path / WAVELENGTH
    c = jnp.cos(phase)
    s = jnp.sin(phase)
    sr = signal_precomp[:, 0]
    si = signal_precomp[:, 1]
    re = amp * (sr * c - si * s)
    im = amp * (sr * s + si * c)

    # gaussian footprint weight from precomputed covariance + radii
    weight = jnp.exp(-0.5 * jnp.sum(cov3d_precomp ** 2, axis=1) / (gaus_radii ** 2 + 1e-6))

    contrib = jnp.stack([re, im], axis=1) * (keep * weight)[:, None]

    # angular projection onto the rx panorama image
    az = jnp.arctan2(diff[:, 1], diff[:, 0])
    el = jnp.arcsin(jnp.clip(diff[:, 2] / jnp.maximum(dist_rx, 1e-6), -1.0, 1.0))
    u = jnp.clip(((az + jnp.pi) / (2.0 * jnp.pi) * W).astype(jnp.int32), 0, W - 1)
    v = jnp.clip(((el + jnp.pi / 2.0) / jnp.pi * H).astype(jnp.int32), 0, H - 1)

    img = jnp.zeros((H, W, 2), dtype=means_3d.dtype).at[v, u].add(contrib)
    color = img + bg[None, None, :]
    return color

if __name__ == "__main__":
    import jax
    _d = setup_inputs()
    print(jax.jit(kernel)(*tuple(_d.values())))

</pallas_src>

<mosaic_0001>
#map = affine_map<(d0, d1) -> (0, 0)>
#map1 = affine_map<(d0, d1) -> (0, 0, 0, 0)>
module attributes {stable_mosaic.version = 14 : i64} {
  func.func @_sc_body(%arg0: i32, %arg1: i32, %arg2: memref<1024x512xi32, #tpu.memory_space<hbm>>, %arg3: memref<1024x512xf32, #tpu.memory_space<hbm>>, %arg4: memref<1024x512xf32, #tpu.memory_space<hbm>>, %arg5: memref<2x2x512x128xf32, #tpu.memory_space<hbm>>, %arg6: memref<32x512xi32, #tpu.memory_space<vmem>>, %arg7: memref<32x512xf32, #tpu.memory_space<vmem>>, %arg8: memref<32x512xf32, #tpu.memory_space<vmem>>, %arg9: memref<512x128xf32, #tpu.memory_space<vmem>>, %arg10: memref<512xi32, #tpu.memory_space<vmem>>, %arg11: memref<512x128xf32, #tpu.memory_space<vmem_shared>>, %arg12: memref<512x128xf32, #tpu.memory_space<vmem_shared>>, %arg13: memref<!tpu.dma_semaphore, #tpu.memory_space<semaphore_mem>>, %arg14: memref<!tpu.dma_semaphore, #tpu.memory_space<semaphore_mem>>, %arg15: memref<!tpu.dma_semaphore, #tpu.memory_space<semaphore_mem>>) attributes {dimension_semantics = [#tpu.dimension_semantics<core_parallel>, #tpu.dimension_semantics<subcore_parallel>], iteration_bounds = array<i64: 2, 16>, scalar_prefetch = 0 : i64, scratch_operands = 10 : i64, tpu.core_type = #tpu.core_type<sc_vector_subcore>, window_params = [{transform_indices = #map}, {transform_indices = #map}, {transform_indices = #map}, {transform_indices = #map1}]} {
    %mul3A = arith.constant 16 : i32
    %mul3A_0 = arith.muli %arg0, %mul3A : i32
    %add3A = arith.addi %mul3A_0, %arg1 : i32
    %mul3A_1 = arith.constant 32 : i32
    %mul3A_2 = arith.muli %add3A, %mul3A_1 : i32
    %dma_start3A = arith.constant 0 : i32
    %dma_start3A_3 = tpu.memref_slice %arg2[%mul3A_2, %dma_start3A] : memref<1024x512xi32, #tpu.memory_space<hbm>> -> memref<32x512xi32, #tpu.memory_space<hbm>>
    %dma_start3A_4 = arith.constant 0 : i32
    %dma_start3A_5 = tpu.memref_slice %arg2[%mul3A_2, %dma_start3A_4] : memref<1024x512xi32, #tpu.memory_space<hbm>> -> memref<32x512xi32, #tpu.memory_space<hbm>>
    tpu.enqueue_dma source(%dma_start3A_5 : memref<32x512xi32, #tpu.memory_space<hbm>>) target(%arg6 : memref<32x512xi32, #tpu.memory_space<vmem>>) target_semaphore(%arg13 : memref<!tpu.dma_semaphore, #tpu.memory_space<semaphore_mem>>)
    %dma_start3A_6 = arith.constant 0 : i32
    %dma_start3A_7 = tpu.memref_slice %arg3[%mul3A_2, %dma_start3A_6] : memref<1024x512xf32, #tpu.memory_space<hbm>> -> memref<32x512xf32, #tpu.memory_space<hbm>>
    %dma_start3A_8 = arith.constant 0 : i32
    %dma_start3A_9 = tpu.memref_slice %arg3[%mul3A_2, %dma_start3A_8] : memref<1024x512xf32, #tpu.memory_space<hbm>> -> memref<32x512xf32, #tpu.memory_space<hbm>>
    tpu.enqueue_dma source(%dma_start3A_9 : memref<32x512xf32, #tpu.memory_space<hbm>>) target(%arg7 : memref<32x512xf32, #tpu.memory_space<vmem>>) target_semaphore(%arg14 : memref<!tpu.dma_semaphore, #tpu.memory_space<semaphore_mem>>)
    %dma_start3A_10 = arith.constant 0 : i32
    %dma_start3A_11 = tpu.memref_slice %arg4[%mul3A_2, %dma_start3A_10] : memref<1024x512xf32, #tpu.memory_space<hbm>> -> memref<32x512xf32, #tpu.memory_space<hbm>>
    %dma_start3A_12 = arith.constant 0 : i32
    %dma_start3A_13 = tpu.memref_slice %arg4[%mul3A_2, %dma_start3A_12] : memref<1024x512xf32, #tpu.memory_space<hbm>> -> memref<32x512xf32, #tpu.memory_space<hbm>>
    tpu.enqueue_dma source(%dma_start3A_13 : memref<32x512xf32, #tpu.memory_space<hbm>>) target(%arg8 : memref<32x512xf32, #tpu.memory_space<vmem>>) target_semaphore(%arg15 : memref<!tpu.dma_semaphore, #tpu.memory_space<semaphore_mem>>)
    %broadcast_in_dim3A = arith.constant 0.000000e+00 : f32
    %broadcast_in_dim3A_14 = vector.broadcast %broadcast_in_dim3A : f32 to vector<16xf32>
    %parallel_loop3A = arith.constant 0 : i32
    %parallel_loop3A_15 = arith.constant 4096 : i32
    %parallel_loop3A_16 = arith.constant 1 : i32
    scf.for %parallel_loop3A_46 = %parallel_loop3A to %parallel_loop3A_15 step %parallel_loop3A_16  : i32 {
      %parallel_loop3A_47 = arith.constant 3 : i32
      %parallel_loop3A_48 = arith.shrsi %parallel_loop3A_46, %parallel_loop3A_47 : i32
      %parallel_loop3A_49 = arith.constant 7 : i32
      %parallel_loop3A_50 = arith.andi %parallel_loop3A_46, %parallel_loop3A_49 : i32
      %parallel_loop3A_51 = arith.constant 16 : i32
      %parallel_loop3A_52 = arith.muli %parallel_loop3A_50, %parallel_loop3A_51 : i32
      %parallel_loop3A_53 = arith.index_cast %parallel_loop3A_48 : i32 to index
      %parallel_loop3A_54 = arith.index_cast %parallel_loop3A_52 : i32 to index
      %parallel_loop3A_55 = tpu.vector_load %arg9[%parallel_loop3A_53, %parallel_loop3A_54] {strides = array<i32>} : memref<512x128xf32, #tpu.memory_space<vmem>>, vector<16xf32>,
      tpu.vector_store %arg9[%parallel_loop3A_53, %parallel_loop3A_54], %broadcast_in_dim3A_14 {strides = array<i32>} : memref<512x128xf32, #tpu.memory_space<vmem>>, vector<16xf32>,
    } {sc.loop_unroll_factor = 8 : i64, sc.parallel_access}
    %parallel_loop3A_17 = arith.constant 0 : i32
    %parallel_loop3A_18 = arith.constant 32 : i32
    %parallel_loop3A_19 = arith.constant 1 : i32
    scf.for %parallel_loop3A_46 = %parallel_loop3A_17 to %parallel_loop3A_18 step %parallel_loop3A_19  : i32 {
      %parallel_loop3A_47 = tpu.iota {dimensions = array<i32: 0>} : vector<16xi32>
      %parallel_loop3A_48 = arith.constant 16 : i32
      %parallel_loop3A_49 = arith.muli %parallel_loop3A_46, %parallel_loop3A_48 : i32
      %parallel_loop3A_50 = vector.broadcast %parallel_loop3A_49 : i32 to vector<16xi32>
      %parallel_loop3A_51 = arith.addi %parallel_loop3A_47, %parallel_loop3A_50 : vector<16xi32>
      %parallel_loop3A_52 = arith.constant 16 : i32
      %parallel_loop3A_53 = arith.muli %parallel_loop3A_46, %parallel_loop3A_52 : i32
      %parallel_loop3A_54 = arith.index_cast %parallel_loop3A_53 : i32 to index
      %parallel_loop3A_55 = tpu.vector_load %arg10[%parallel_loop3A_54] {strides = array<i32>} : memref<512xi32, #tpu.memory_space<vmem>>, vector<16xi32>,
      tpu.vector_store %arg10[%parallel_loop3A_54], %parallel_loop3A_51 {strides = array<i32>} : memref<512xi32, #tpu.memory_space<vmem>>, vector<16xi32>,
    } {sc.loop_unroll_factor = 4 : i64, sc.parallel_access}
    %eq3A = arith.constant 0 : i32
    %eq3A_20 = arith.cmpi eq, %arg1, %eq3A : i32
    %convert_element_type3A = arith.extui %eq3A_20 : i1 to i32
    %cond3A = arith.constant 0 : i32
    %cond3A_21 = arith.cmpi ne, %convert_element_type3A, %cond3A : i32
    scf.if %cond3A_21 {
      "tpu.region"() ({
        %run_scoped3A_46 = tpu.sem_alloc : memref<!tpu.dma_semaphore, #tpu.memory_space<semaphore_mem>>
        tpu.enqueue_dma source(%arg9 : memref<512x128xf32, #tpu.memory_space<vmem>>) target(%arg11 : memref<512x128xf32, #tpu.memory_space<vmem_shared>>) target_semaphore(%run_scoped3A_46 : memref<!tpu.dma_semaphore, #tpu.memory_space<semaphore_mem>>)
        tpu.wait_dma2 semaphore(%run_scoped3A_46 : memref<!tpu.dma_semaphore, #tpu.memory_space<semaphore_mem>>) src(%arg9 : memref<512x128xf32, #tpu.memory_space<vmem>>) dst(%arg11 : memref<512x128xf32, #tpu.memory_space<vmem_shared>>)
        tpu.yield
      }) : () -> ()
      "tpu.region"() ({
        %run_scoped3A_46 = tpu.sem_alloc : memref<!tpu.dma_semaphore, #tpu.memory_space<semaphore_mem>>
        tpu.enqueue_dma source(%arg9 : memref<512x128xf32, #tpu.memory_space<vmem>>) target(%arg12 : memref<512x128xf32, #tpu.memory_space<vmem_shared>>) target_semaphore(%run_scoped3A_46 : memref<!tpu.dma_semaphore, #tpu.memory_space<semaphore_mem>>)
        tpu.wait_dma2 semaphore(%run_scoped3A_46 : memref<!tpu.dma_semaphore, #tpu.memory_space<semaphore_mem>>) src(%arg9 : memref<512x128xf32, #tpu.memory_space<vmem>>) dst(%arg12 : memref<512x128xf32, #tpu.memory_space<vmem_shared>>)
        tpu.yield
      }) : () -> ()
    } else {
    }
    %barrier3A = arith.constant 0 : index
    tpu.barrier barrier_id(%barrier3A)
    %dma_wait3A = arith.constant 0 : i32
    %dma_wait3A_22 = tpu.memref_slice %arg2[%mul3A_2, %dma_wait3A] : memref<1024x512xi32, #tpu.memory_space<hbm>> -> memref<32x512xi32, #tpu.memory_space<hbm>>
    %dma_wait3A_23 = arith.constant 0 : i32
    %dma_wait3A_24 = tpu.memref_slice %arg2[%mul3A_2, %dma_wait3A_23] : memref<1024x512xi32, #tpu.memory_space<hbm>> -> memref<32x512xi32, #tpu.memory_space<hbm>>
    tpu.wait_dma2 semaphore(%arg13 : memref<!tpu.dma_semaphore, #tpu.memory_space<semaphore_mem>>) src(%dma_wait3A_24 : memref<32x512xi32, #tpu.memory_space<hbm>>) dst(%arg6 : memref<32x512xi32, #tpu.memory_space<vmem>>)
    %dma_wait3A_25 = arith.constant 0 : i32
    %dma_wait3A_26 = tpu.memref_slice %arg3[%mul3A_2, %dma_wait3A_25] : memref<1024x512xf32, #tpu.memory_space<hbm>> -> memref<32x512xf32, #tpu.memory_space<hbm>>
    %dma_wait3A_27 = arith.constant 0 : i32
    %dma_wait3A_28 = tpu.memref_slice %arg3[%mul3A_2, %dma_wait3A_27] : memref<1024x512xf32, #tpu.memory_space<hbm>> -> memref<32x512xf32, #tpu.memory_space<hbm>>
    tpu.wait_dma2 semaphore(%arg14 : memref<!tpu.dma_semaphore, #tpu.memory_space<semaphore_mem>>) src(%dma_wait3A_28 : memref<32x512xf32, #tpu.memory_space<hbm>>) dst(%arg7 : memref<32x512xf32, #tpu.memory_space<vmem>>)
    %parallel_loop3A_29 = arith.constant 0 : i32
    %parallel_loop3A_30 = arith.constant 1024 : i32
    %parallel_loop3A_31 = arith.constant 1 : i32
    scf.for %parallel_loop3A_46 = %parallel_loop3A_29 to %parallel_loop3A_30 step %parallel_loop3A_31  : i32 {
      %parallel_loop3A_47 = arith.constant 5 : i32
      %parallel_loop3A_48 = arith.shrsi %parallel_loop3A_46, %parallel_loop3A_47 : i32
      %parallel_loop3A_49 = arith.constant 31 : i32
      %parallel_loop3A_50 = arith.andi %parallel_loop3A_46, %parallel_loop3A_49 : i32
      %parallel_loop3A_51 = arith.constant 16 : i32
      %parallel_loop3A_52 = arith.muli %parallel_loop3A_50, %parallel_loop3A_51 : i32
      %parallel_loop3A_53 = arith.index_cast %parallel_loop3A_48 : i32 to index
      %parallel_loop3A_54 = arith.index_cast %parallel_loop3A_52 : i32 to index
      %parallel_loop3A_55 = tpu.vector_load %arg6[%parallel_loop3A_53, %parallel_loop3A_54] {strides = array<i32>} : memref<32x512xi32, #tpu.memory_space<vmem>>, vector<16xi32>,
      %parallel_loop3A_56 = arith.constant 7 : i32
      %parallel_loop3A_57 = vector.broadcast %parallel_loop3A_56 : i32 to vector<16xi32>
      %parallel_loop3A_58 = arith.shrui %parallel_loop3A_55, %parallel_loop3A_57 : vector<16xi32>
      %parallel_loop3A_59 = arith.constant 127 : i32
      %parallel_loop3A_60 = vector.broadcast %parallel_loop3A_59 : i32 to vector<16xi32>
      %parallel_loop3A_61 = arith.andi %parallel_loop3A_55, %parallel_loop3A_60 : vector<16xi32>
      %parallel_loop3A_62 = arith.index_cast %parallel_loop3A_48 : i32 to index
      %parallel_loop3A_63 = arith.index_cast %parallel_loop3A_52 : i32 to index
      %parallel_loop3A_64 = tpu.vector_load %arg7[%parallel_loop3A_62, %parallel_loop3A_63] {strides = array<i32>} : memref<32x512xf32, #tpu.memory_space<vmem>>, vector<16xf32>,
      tpu.vector_store_idx %arg9[%parallel_loop3A_58, %parallel_loop3A_61], %parallel_loop3A_64 {add = true} : memref<512x128xf32, #tpu.memory_space<vmem>>[vector<16xi32>, vector<16xi32>], vector<16xf32>,
    } {sc.loop_unroll_factor = 8 : i64, sc.parallel_access}
    "tpu.region"() ({
      %run_scoped3A_46 = tpu.sem_alloc : memref<!tpu.dma_semaphore, #tpu.memory_space<semaphore_mem>>
      %dma_start3A_47 = arith.constant 0 : i32
      %dma_start3A_48 = arith.constant 0 : i32
      %dma_start3A_49 = tpu.memref_slice %arg11[%dma_start3A_47, %dma_start3A_48] : memref<512x128xf32, #tpu.memory_space<vmem_shared>> -> memref<512x128xf32, #tpu.memory_space<vmem_shared>>
      tpu.enqueue_indirect_dma source(%arg9 : memref<512x128xf32, #tpu.memory_space<vmem>>) target(%dma_start3A_49 : memref<512x128xf32, #tpu.memory_space<vmem_shared>>) offsets(%arg10 : memref<512xi32, #tpu.memory_space<vmem>>) semaphore(%run_scoped3A_46 : memref<!tpu.dma_semaphore, #tpu.memory_space<semaphore_mem>>) {add = true}
      %dma_wait3A_50 = arith.constant 0 : i32
      %dma_wait3A_51 = arith.constant 0 : i32
      %dma_wait3A_52 = tpu.memref_slice %arg11[%dma_wait3A_50, %dma_wait3A_51] : memref<512x128xf32, #tpu.memory_space<vmem_shared>> -> memref<512x128xf32, #tpu.memory_space<vmem_shared>>
      tpu.wait_indirect_dma semaphore(%run_scoped3A_46 : memref<!tpu.dma_semaphore, #tpu.memory_space<semaphore_mem>>) src(%arg9 : memref<512x128xf32, #tpu.memory_space<vmem>>) dst(%dma_wait3A_52 : memref<512x128xf32, #tpu.memory_space<vmem_shared>>)
      tpu.yield
    }) : () -> ()
    %parallel_loop3A_32 = arith.constant 0 : i32
    %parallel_loop3A_33 = arith.constant 4096 : i32
    %parallel_loop3A_34 = arith.constant 1 : i32
    scf.for %parallel_loop3A_46 = %parallel_loop3A_32 to %parallel_loop3A_33 step %parallel_loop3A_34  : i32 {
      %parallel_loop3A_47 = arith.constant 3 : i32
      %parallel_loop3A_48 = arith.shrsi %parallel_loop3A_46, %parallel_loop3A_47 : i32
      %parallel_loop3A_49 = arith.constant 7 : i32
      %parallel_loop3A_50 = arith.andi %parallel_loop3A_46, %parallel_loop3A_49 : i32
      %parallel_loop3A_51 = arith.constant 16 : i32
      %parallel_loop3A_52 = arith.muli %parallel_loop3A_50, %parallel_loop3A_51 : i32
      %parallel_loop3A_53 = arith.index_cast %parallel_loop3A_48 : i32 to index
      %parallel_loop3A_54 = arith.index_cast %parallel_loop3A_52 : i32 to index
      %parallel_loop3A_55 = tpu.vector_load %arg9[%parallel_loop3A_53, %parallel_loop3A_54] {strides = array<i32>} : memref<512x128xf32, #tpu.memory_space<vmem>>, vector<16xf32>,
      tpu.vector_store %arg9[%parallel_loop3A_53, %parallel_loop3A_54], %broadcast_in_dim3A_14 {strides = array<i32>} : memref<512x128xf32, #tpu.memory_space<vmem>>, vector<16xf32>,
    } {sc.loop_unroll_factor = 8 : i64, sc.parallel_access}
    %dma_wait3A_35 = arith.constant 0 : i32
    %dma_wait3A_36 = tpu.memref_slice %arg4[%mul3A_2, %dma_wait3A_35] : memref<1024x512xf32, #tpu.memory_space<hbm>> -> memref<32x512xf32, #tpu.memory_space<hbm>>
    %dma_wait3A_37 = arith.constant 0 : i32
    %dma_wait3A_38 = tpu.memref_slice %arg4[%mul3A_2, %dma_wait3A_37] : memref<1024x512xf32, #tpu.memory_space<hbm>> -> memref<32x512xf32, #tpu.memory_space<hbm>>
    tpu.wait_dma2 semaphore(%arg15 : memref<!tpu.dma_semaphore, #tpu.memory_space<semaphore_mem>>) src(%dma_wait3A_38 : memref<32x512xf32, #tpu.memory_space<hbm>>) dst(%arg8 : memref<32x512xf32, #tpu.memory_space<vmem>>)
    %parallel_loop3A_39 = arith.constant 0 : i32
    %parallel_loop3A_40 = arith.constant 1024 : i32
    %parallel_loop3A_41 = arith.constant 1 : i32
    scf.for %parallel_loop3A_46 = %parallel_loop3A_39 to %parallel_loop3A_40 step %parallel_loop3A_41  : i32 {
      %parallel_loop3A_47 = arith.constant 5 : i32
      %parallel_loop3A_48 = arith.shrsi %parallel_loop3A_46, %parallel_loop3A_47 : i32
      %parallel_loop3A_49 = arith.constant 31 : i32
      %parallel_loop3A_50 = arith.andi %parallel_loop3A_46, %parallel_loop3A_49 : i32
      %parallel_loop3A_51 = arith.constant 16 : i32
      %parallel_loop3A_52 = arith.muli %parallel_loop3A_50, %parallel_loop3A_51 : i32
      %parallel_loop3A_53 = arith.index_cast %parallel_loop3A_48 : i32 to index
      %parallel_loop3A_54 = arith.index_cast %parallel_loop3A_52 : i32 to index
      %parallel_loop3A_55 = tpu.vector_load %arg6[%parallel_loop3A_53, %parallel_loop3A_54] {strides = array<i32>} : memref<32x512xi32, #tpu.memory_space<vmem>>, vector<16xi32>,
      %parallel_loop3A_56 = arith.constant 7 : i32
      %parallel_loop3A_57 = vector.broadcast %parallel_loop3A_56 : i32 to vector<16xi32>
      %parallel_loop3A_58 = arith.shrui %parallel_loop3A_55, %parallel_loop3A_57 : vector<16xi32>
      %parallel_loop3A_59 = arith.constant 127 : i32
      %parallel_loop3A_60 = vector.broadcast %parallel_loop3A_59 : i32 to vector<16xi32>
      %parallel_loop3A_61 = arith.andi %parallel_loop3A_55, %parallel_loop3A_60 : vector<16xi32>
      %parallel_loop3A_62 = arith.index_cast %parallel_loop3A_48 : i32 to index
      %parallel_loop3A_63 = arith.index_cast %parallel_loop3A_52 : i32 to index
      %parallel_loop3A_64 = tpu.vector_load %arg8[%parallel_loop3A_62, %parallel_loop3A_63] {strides = array<i32>} : memref<32x512xf32, #tpu.memory_space<vmem>>, vector<16xf32>,
      tpu.vector_store_idx %arg9[%parallel_loop3A_58, %parallel_loop3A_61], %parallel_loop3A_64 {add = true} : memref<512x128xf32, #tpu.memory_space<vmem>>[vector<16xi32>, vector<16xi32>], vector<16xf32>,
    } {sc.loop_unroll_factor = 8 : i64, sc.parallel_access}
    "tpu.region"() ({
      %run_scoped3A_46 = tpu.sem_alloc : memref<!tpu.dma_semaphore, #tpu.memory_space<semaphore_mem>>
      %dma_start3A_47 = arith.constant 0 : i32
      %dma_start3A_48 = arith.constant 0 : i32
      %dma_start3A_49 = tpu.memref_slice %arg12[%dma_start3A_47, %dma_start3A_48] : memref<512x128xf32, #tpu.memory_space<vmem_shared>> -> memref<512x128xf32, #tpu.memory_space<vmem_shared>>
      tpu.enqueue_indirect_dma source(%arg9 : memref<512x128xf32, #tpu.memory_space<vmem>>) target(%dma_start3A_49 : memref<512x128xf32, #tpu.memory_space<vmem_shared>>) offsets(%arg10 : memref<512xi32, #tpu.memory_space<vmem>>) semaphore(%run_scoped3A_46 : memref<!tpu.dma_semaphore, #tpu.memory_space<semaphore_mem>>) {add = true}
      %dma_wait3A_50 = arith.constant 0 : i32
      %dma_wait3A_51 = arith.constant 0 : i32
      %dma_wait3A_52 = tpu.memref_slice %arg12[%dma_wait3A_50, %dma_wait3A_51] : memref<512x128xf32, #tpu.memory_space<vmem_shared>> -> memref<512x128xf32, #tpu.memory_space<vmem_shared>>
      tpu.wait_indirect_dma semaphore(%run_scoped3A_46 : memref<!tpu.dma_semaphore, #tpu.memory_space<semaphore_mem>>) src(%arg9 : memref<512x128xf32, #tpu.memory_space<vmem>>) dst(%dma_wait3A_52 : memref<512x128xf32, #tpu.memory_space<vmem_shared>>)
      tpu.yield
    }) : () -> ()
    %barrier3A_42 = arith.constant 0 : index
    tpu.barrier barrier_id(%barrier3A_42)
    %mul3A_43 = arith.constant 32 : i32
    %mul3A_44 = arith.muli %arg1, %mul3A_43 : i32
    %run_scoped3A = arith.constant 0 : i32
    "tpu.region"() ({
      %run_scoped3A_46 = tpu.sem_alloc : memref<!tpu.dma_semaphore, #tpu.memory_space<semaphore_mem>>
      %dma_start3A_47 = arith.constant 0 : i32
      %dma_start3A_48 = tpu.memref_slice %arg5[%arg0, %run_scoped3A, %mul3A_44, %dma_start3A_47] : memref<2x2x512x128xf32, #tpu.memory_space<hbm>> -> memref<1x1x32x128xf32, #tpu.memory_space<hbm>>
      %dma_start3A_49 = tpu.memref_squeeze %dma_start3A_48 : memref<1x1x32x128xf32, #tpu.memory_space<hbm>> -> memref<32x128xf32, #tpu.memory_space<hbm>>
      %dma_start3A_50 = arith.constant 0 : i32
      %dma_start3A_51 = tpu.memref_slice %arg11[%mul3A_44, %dma_start3A_50] : memref<512x128xf32, #tpu.memory_space<vmem_shared>> -> memref<32x128xf32, #tpu.memory_space<vmem_shared>>
      tpu.enqueue_dma source(%dma_start3A_51 : memref<32x128xf32, #tpu.memory_space<vmem_shared>>) target(%dma_start3A_49 : memref<32x128xf32, #tpu.memory_space<hbm>>) target_semaphore(%run_scoped3A_46 : memref<!tpu.dma_semaphore, #tpu.memory_space<semaphore_mem>>)
      %dma_wait3A_52 = arith.constant 0 : i32
      %dma_wait3A_53 = tpu.memref_slice %arg5[%arg0, %run_scoped3A, %mul3A_44, %dma_wait3A_52] : memref<2x2x512x128xf32, #tpu.memory_space<hbm>> -> memref<1x1x32x128xf32, #tpu.memory_space<hbm>>
      %dma_wait3A_54 = tpu.memref_squeeze %dma_wait3A_53 : memref<1x1x32x128xf32, #tpu.memory_space<hbm>> -> memref<32x128xf32, #tpu.memory_space<hbm>>
      %dma_wait3A_55 = arith.constant 0 : i32
      %dma_wait3A_56 = tpu.memref_slice %arg11[%mul3A_44, %dma_wait3A_55] : memref<512x128xf32, #tpu.memory_space<vmem_shared>> -> memref<32x128xf32, #tpu.memory_space<vmem_shared>>
      tpu.wait_dma2 semaphore(%run_scoped3A_46 : memref<!tpu.dma_semaphore, #tpu.memory_space<semaphore_mem>>) src(%dma_wait3A_56 : memref<32x128xf32, #tpu.memory_space<vmem_shared>>) dst(%dma_wait3A_54 : memref<32x128xf32, #tpu.memory_space<hbm>>)
      tpu.yield
    }) : () -> ()
    %run_scoped3A_45 = arith.constant 1 : i32
    "tpu.region"() ({
      %run_scoped3A_46 = tpu.sem_alloc : memref<!tpu.dma_semaphore, #tpu.memory_space<semaphore_mem>>
      %dma_start3A_47 = arith.constant 0 : i32
      %dma_start3A_48 = tpu.memref_slice %arg5[%arg0, %run_scoped3A_45, %mul3A_44, %dma_start3A_47] : memref<2x2x512x128xf32, #tpu.memory_space<hbm>> -> memref<1x1x32x128xf32, #tpu.memory_space<hbm>>
      %dma_start3A_49 = tpu.memref_squeeze %dma_start3A_48 : memref<1x1x32x128xf32, #tpu.memory_space<hbm>> -> memref<32x128xf32, #tpu.memory_space<hbm>>
      %dma_start3A_50 = arith.constant 0 : i32
      %dma_start3A_51 = tpu.memref_slice %arg12[%mul3A_44, %dma_start3A_50] : memref<512x128xf32, #tpu.memory_space<vmem_shared>> -> memref<32x128xf32, #tpu.memory_space<vmem_shared>>
      tpu.enqueue_dma source(%dma_start3A_51 : memref<32x128xf32, #tpu.memory_space<vmem_shared>>) target(%dma_start3A_49 : memref<32x128xf32, #tpu.memory_space<hbm>>) target_semaphore(%run_scoped3A_46 : memref<!tpu.dma_semaphore, #tpu.memory_space<semaphore_mem>>)
      %dma_wait3A_52 = arith.constant 0 : i32
      %dma_wait3A_53 = tpu.memref_slice %arg5[%arg0, %run_scoped3A_45, %mul3A_44, %dma_wait3A_52] : memref<2x2x512x128xf32, #tpu.memory_space<hbm>> -> memref<1x1x32x128xf32, #tpu.memory_space<hbm>>
      %dma_wait3A_54 = tpu.memref_squeeze %dma_wait3A_53 : memref<1x1x32x128xf32, #tpu.memory_space<hbm>> -> memref<32x128xf32, #tpu.memory_space<hbm>>
      %dma_wait3A_55 = arith.constant 0 : i32
      %dma_wait3A_56 = tpu.memref_slice %arg12[%mul3A_44, %dma_wait3A_55] : memref<512x128xf32, #tpu.memory_space<vmem_shared>> -> memref<32x128xf32, #tpu.memory_space<vmem_shared>>
      tpu.wait_dma2 semaphore(%run_scoped3A_46 : memref<!tpu.dma_semaphore, #tpu.memory_space<semaphore_mem>>) src(%dma_wait3A_56 : memref<32x128xf32, #tpu.memory_space<vmem_shared>>) dst(%dma_wait3A_54 : memref<32x128xf32, #tpu.memory_space<hbm>>)
      tpu.yield
    }) : () -> ()
    return
  }
}

module attributes {stable_mosaic.version = 14 : i64} {
  func.func @_tc_body(%arg0: i32, %arg1: memref<3xf32, #tpu.memory_space<smem>>, %arg2: memref<3xf32, #tpu.memory_space<smem>>, %arg3: memref<3x32768xf32, #tpu.memory_space<vmem>>, %arg4: memref<6x32768xf32, #tpu.memory_space<vmem>>, %arg5: memref<2x32768xf32, #tpu.memory_space<vmem>>, %arg6: memref<1x32768xf32, #tpu.memory_space<vmem>>, %arg7: memref<1x32768xf32, #tpu.memory_space<vmem>>, %arg8: memref<64x512xi32, #tpu.memory_space<vmem>>, %arg9: memref<64x512xf32, #tpu.memory_space<vmem>>, %arg10: memref<64x512xf32, #tpu.memory_space<vmem>>) attributes {dimension_semantics = [#tpu.dimension_semantics<arbitrary>], iteration_bounds = array<i64: 16>, scalar_prefetch = 0 : i64, scratch_operands = 0 : i64, tpu.core_type = #tpu.core_type<tc>, window_params = [{transform_indices = @transform_0, window_bounds = array<i64: 3>}, {transform_indices = @transform_1, window_bounds = array<i64: 3>}, {transform_indices = @transform_2, window_bounds = array<i64: 3, 32768>}, {transform_indices = @transform_3, window_bounds = array<i64: 6, 32768>}, {transform_indices = @transform_4, window_bounds = array<i64: 2, 32768>}, {transform_indices = @transform_5, window_bounds = array<i64: 1, 32768>}, {transform_indices = @transform_6, window_bounds = array<i64: 1, 32768>}, {transform_indices = @transform_7, window_bounds = array<i64: 64, 512>}, {transform_indices = @transform_8, window_bounds = array<i64: 64, 512>}, {transform_indices = @transform_9, window_bounds = array<i64: 64, 512>}]} {
    %get3A = arith.constant 0 : index
    %get3A_0 = arith.constant 0 : index
    %get3A_1 = vector.load %arg3[%get3A, %get3A_0] : memref<3x32768xf32, #tpu.memory_space<vmem>>, vector<1x32768xf32>
    %get3A_2 = vector.shape_cast %get3A_1 : vector<1x32768xf32> to vector<32768xf32>
    %reshape3A = vector.shape_cast %get3A_2 : vector<32768xf32> to vector<64x512xf32>
    %get3A_3 = arith.constant 1 : index
    %get3A_4 = arith.constant 0 : index
    %get3A_5 = vector.load %arg3[%get3A_3, %get3A_4] : memref<3x32768xf32, #tpu.memory_space<vmem>>, vector<1x32768xf32>
    %get3A_6 = vector.shape_cast %get3A_5 : vector<1x32768xf32> to vector<32768xf32>
    %reshape3A_7 = vector.shape_cast %get3A_6 : vector<32768xf32> to vector<64x512xf32>
    %get3A_8 = arith.constant 2 : index
    %get3A_9 = arith.constant 0 : index
    %get3A_10 = vector.load %arg3[%get3A_8, %get3A_9] : memref<3x32768xf32, #tpu.memory_space<vmem>>, vector<1x32768xf32>
    %get3A_11 = vector.shape_cast %get3A_10 : vector<1x32768xf32> to vector<32768xf32>
    %reshape3A_12 = vector.shape_cast %get3A_11 : vector<32768xf32> to vector<64x512xf32>
    %get3A_13 = arith.constant 0 : index
    %get3A_14 = memref.load %arg1[%get3A_13] : memref<3xf32, #tpu.memory_space<smem>>
    %sub3A = vector.broadcast %get3A_14 : f32 to vector<64x512xf32>
    %sub3A_15 = arith.subf %reshape3A, %sub3A : vector<64x512xf32>
    %get3A_16 = arith.constant 1 : index
    %get3A_17 = memref.load %arg1[%get3A_16] : memref<3xf32, #tpu.memory_space<smem>>
    %sub3A_18 = vector.broadcast %get3A_17 : f32 to vector<64x512xf32>
    %sub3A_19 = arith.subf %reshape3A_7, %sub3A_18 : vector<64x512xf32>
    %get3A_20 = arith.constant 2 : index
    %get3A_21 = memref.load %arg1[%get3A_20] : memref<3xf32, #tpu.memory_space<smem>>
    %sub3A_22 = vector.broadcast %get3A_21 : f32 to vector<64x512xf32>
    %sub3A_23 = arith.subf %reshape3A_12, %sub3A_22 : vector<64x512xf32>
    %mul3A = arith.mulf %sub3A_15, %sub3A_15 : vector<64x512xf32>
    %mul3A_24 = arith.mulf %sub3A_19, %sub3A_19 : vector<64x512xf32>
    %add3A = arith.addf %mul3A, %mul3A_24 : vector<64x512xf32>
    %mul3A_25 = arith.mulf %sub3A_23, %sub3A_23 : vector<64x512xf32>
    %add3A_26 = arith.addf %add3A, %mul3A_25 : vector<64x512xf32>
    %sqrt3A = math.sqrt %add3A_26 : vector<64x512xf32>
    %get3A_27 = arith.constant 0 : index
    %get3A_28 = memref.load %arg2[%get3A_27] : memref<3xf32, #tpu.memory_space<smem>>
    %sub3A_29 = vector.broadcast %get3A_28 : f32 to vector<64x512xf32>
    %sub3A_30 = arith.subf %reshape3A, %sub3A_29 : vector<64x512xf32>
    %get3A_31 = arith.constant 1 : index
    %get3A_32 = memref.load %arg2[%get3A_31] : memref<3xf32, #tpu.memory_space<smem>>
    %sub3A_33 = vector.broadcast %get3A_32 : f32 to vector<64x512xf32>
    %sub3A_34 = arith.subf %reshape3A_7, %sub3A_33 : vector<64x512xf32>
    %get3A_35 = arith.constant 2 : index
    %get3A_36 = memref.load %arg2[%get3A_35] : memref<3xf32, #tpu.memory_space<smem>>
    %sub3A_37 = vector.broadcast %get3A_36 : f32 to vector<64x512xf32>
    %sub3A_38 = arith.subf %reshape3A_12, %sub3A_37 : vector<64x512xf32>
    %mul3A_39 = arith.mulf %sub3A_30, %sub3A_30 : vector<64x512xf32>
    %mul3A_40 = arith.mulf %sub3A_34, %sub3A_34 : vector<64x512xf32>
    %add3A_41 = arith.addf %mul3A_39, %mul3A_40 : vector<64x512xf32>
    %mul3A_42 = arith.mulf %sub3A_38, %sub3A_38 : vector<64x512xf32>
    %add3A_43 = arith.addf %add3A_41, %mul3A_42 : vector<64x512xf32>
    %sqrt3A_44 = math.sqrt %add3A_43 : vector<64x512xf32>
    %add3A_45 = arith.addf %sqrt3A, %sqrt3A_44 : vector<64x512xf32>
    %get3A_46 = arith.constant 0 : index
    %get3A_47 = arith.constant 0 : index
    %get3A_48 = vector.load %arg6[%get3A_46, %get3A_47] : memref<1x32768xf32, #tpu.memory_space<vmem>>, vector<1x32768xf32>
    %get3A_49 = vector.shape_cast %get3A_48 : vector<1x32768xf32> to vector<32768xf32>
    %reshape3A_50 = vector.shape_cast %get3A_49 : vector<32768xf32> to vector<64x512xf32>
    %neg3A = arith.constant 0.000000e+00 : f32
    %neg3A_51 = vector.broadcast %neg3A : f32 to vector<64x512xf32>
    %neg3A_52 = arith.subf %neg3A_51, %reshape3A_50 : vector<64x512xf32>
    %mul3A_53 = arith.mulf %neg3A_52, %add3A_45 : vector<64x512xf32>
    %exp3A = math.exp %mul3A_53 : vector<64x512xf32>
    %max3A = arith.constant 9.99999997E-7 : f32
    %max3A_54 = vector.broadcast %max3A : f32 to vector<64x512xf32>
    %max3A_55 = arith.maximumf %add3A_45, %max3A_54 : vector<64x512xf32>
    %div3A = arith.divf %exp3A, %max3A_55 : vector<64x512xf32>
    %mul3A_56 = arith.constant 6.28318548 : f32
    %mul3A_57 = vector.broadcast %mul3A_56 : f32 to vector<64x512xf32>
    %mul3A_58 = arith.mulf %mul3A_57, %add3A_45 : vector<64x512xf32>
    %div3A_59 = arith.constant 1.000000e-01 : f32
    %div3A_60 = vector.broadcast %div3A_59 : f32 to vector<64x512xf32>
    %div3A_61 = arith.divf %mul3A_58, %div3A_60 : vector<64x512xf32>
    %cos3A = math.cos %div3A_61 : vector<64x512xf32>
    %sin3A = math.sin %div3A_61 : vector<64x512xf32>
    %get3A_62 = arith.constant 0 : index
    %get3A_63 = arith.constant 0 : index
    %get3A_64 = vector.load %arg5[%get3A_62, %get3A_63] : memref<2x32768xf32, #tpu.memory_space<vmem>>, vector<1x32768xf32>
    %get3A_65 = vector.shape_cast %get3A_64 : vector<1x32768xf32> to vector<32768xf32>
    %reshape3A_66 = vector.shape_cast %get3A_65 : vector<32768xf32> to vector<64x512xf32>
    %get3A_67 = arith.constant 1 : index
    %get3A_68 = arith.constant 0 : index
    %get3A_69 = vector.load %arg5[%get3A_67, %get3A_68] : memref<2x32768xf32, #tpu.memory_space<vmem>>, vector<1x32768xf32>
    %get3A_70 = vector.shape_cast %get3A_69 : vector<1x32768xf32> to vector<32768xf32>
    %reshape3A_71 = vector.shape_cast %get3A_70 : vector<32768xf32> to vector<64x512xf32>
    %mul3A_72 = arith.mulf %reshape3A_66, %cos3A : vector<64x512xf32>
    %mul3A_73 = arith.mulf %reshape3A_71, %sin3A : vector<64x512xf32>
    %sub3A_74 = arith.subf %mul3A_72, %mul3A_73 : vector<64x512xf32>
    %mul3A_75 = arith.mulf %div3A, %sub3A_74 : vector<64x512xf32>
    %mul3A_76 = arith.mulf %reshape3A_66, %sin3A : vector<64x512xf32>
    %mul3A_77 = arith.mulf %reshape3A_71, %cos3A : vector<64x512xf32>
    %add3A_78 = arith.addf %mul3A_76, %mul3A_77 : vector<64x512xf32>
    %mul3A_79 = arith.mulf %div3A, %add3A_78 : vector<64x512xf32>
    %get3A_80 = arith.constant 0 : index
    %get3A_81 = arith.constant 0 : index
    %get3A_82 = vector.load %arg4[%get3A_80, %get3A_81] : memref<6x32768xf32, #tpu.memory_space<vmem>>, vector<1x32768xf32>
    %get3A_83 = vector.shape_cast %get3A_82 : vector<1x32768xf32> to vector<32768xf32>
    %reshape3A_84 = vector.shape_cast %get3A_83 : vector<32768xf32> to vector<64x512xf32>
    %integer_pow3A = arith.mulf %reshape3A_84, %reshape3A_84 : vector<64x512xf32>
    %get3A_85 = arith.constant 1 : index
    %get3A_86 = arith.constant 0 : index
    %get3A_87 = vector.load %arg4[%get3A_85, %get3A_86] : memref<6x32768xf32, #tpu.memory_space<vmem>>, vector<1x32768xf32>
    %get3A_88 = vector.shape_cast %get3A_87 : vector<1x32768xf32> to vector<32768xf32>
    %reshape3A_89 = vector.shape_cast %get3A_88 : vector<32768xf32> to vector<64x512xf32>
    %integer_pow3A_90 = arith.mulf %reshape3A_89, %reshape3A_89 : vector<64x512xf32>
    %add3A_91 = arith.addf %integer_pow3A, %integer_pow3A_90 : vector<64x512xf32>
    %get3A_92 = arith.constant 2 : index
    %get3A_93 = arith.constant 0 : index
    %get3A_94 = vector.load %arg4[%get3A_92, %get3A_93] : memref<6x32768xf32, #tpu.memory_space<vmem>>, vector<1x32768xf32>
    %get3A_95 = vector.shape_cast %get3A_94 : vector<1x32768xf32> to vector<32768xf32>
    %reshape3A_96 = vector.shape_cast %get3A_95 : vector<32768xf32> to vector<64x512xf32>
    %integer_pow3A_97 = arith.mulf %reshape3A_96, %reshape3A_96 : vector<64x512xf32>
    %add3A_98 = arith.addf %add3A_91, %integer_pow3A_97 : vector<64x512xf32>
    %get3A_99 = arith.constant 3 : index
    %get3A_100 = arith.constant 0 : index
    %get3A_101 = vector.load %arg4[%get3A_99, %get3A_100] : memref<6x32768xf32, #tpu.memory_space<vmem>>, vector<1x32768xf32>
    %get3A_102 = vector.shape_cast %get3A_101 : vector<1x32768xf32> to vector<32768xf32>
    %reshape3A_103 = vector.shape_cast %get3A_102 : vector<32768xf32> to vector<64x512xf32>
    %integer_pow3A_104 = arith.mulf %reshape3A_103, %reshape3A_103 : vector<64x512xf32>
    %add3A_105 = arith.addf %add3A_98, %integer_pow3A_104 : vector<64x512xf32>
    %get3A_106 = arith.constant 4 : index
    %get3A_107 = arith.constant 0 : index
    %get3A_108 = vector.load %arg4[%get3A_106, %get3A_107] : memref<6x32768xf32, #tpu.memory_space<vmem>>, vector<1x32768xf32>
    %get3A_109 = vector.shape_cast %get3A_108 : vector<1x32768xf32> to vector<32768xf32>
    %reshape3A_110 = vector.shape_cast %get3A_109 : vector<32768xf32> to vector<64x512xf32>
    %integer_pow3A_111 = arith.mulf %reshape3A_110, %reshape3A_110 : vector<64x512xf32>
    %add3A_112 = arith.addf %add3A_105, %integer_pow3A_111 : vector<64x512xf32>
    %get3A_113 = arith.constant 5 : index
    %get3A_114 = arith.constant 0 : index
    %get3A_115 = vector.load %arg4[%get3A_113, %get3A_114] : memref<6x32768xf32, #tpu.memory_space<vmem>>, vector<1x32768xf32>
    %get3A_116 = vector.shape_cast %get3A_115 : vector<1x32768xf32> to vector<32768xf32>
    %reshape3A_117 = vector.shape_cast %get3A_116 : vector<32768xf32> to vector<64x512xf32>
    %integer_pow3A_118 = arith.mulf %reshape3A_117, %reshape3A_117 : vector<64x512xf32>
    %add3A_119 = arith.addf %add3A_112, %integer_pow3A_118 : vector<64x512xf32>
    %get3A_120 = arith.constant 0 : index
    %get3A_121 = arith.constant 0 : index
    %get3A_122 = vector.load %arg7[%get3A_120, %get3A_121] : memref<1x32768xf32, #tpu.memory_space<vmem>>, vector<1x32768xf32>
    %get3A_123 = vector.shape_cast %get3A_122 : vector<1x32768xf32> to vector<32768xf32>
    %reshape3A_124 = vector.shape_cast %get3A_123 : vector<32768xf32> to vector<64x512xf32>
    %mul3A_125 = arith.constant -5.000000e-01 : f32
    %mul3A_126 = vector.broadcast %mul3A_125 : f32 to vector<64x512xf32>
    %mul3A_127 = arith.mulf %mul3A_126, %add3A_119 : vector<64x512xf32>
    %mul3A_128 = arith.mulf %reshape3A_124, %reshape3A_124 : vector<64x512xf32>
    %add3A_129 = arith.constant 9.99999997E-7 : f32
    %add3A_130 = vector.broadcast %add3A_129 : f32 to vector<64x512xf32>
    %add3A_131 = arith.addf %mul3A_128, %add3A_130 : vector<64x512xf32>
    %div3A_132 = arith.divf %mul3A_127, %add3A_131 : vector<64x512xf32>
    %exp3A_133 = math.exp %div3A_132 : vector<64x512xf32>
    %gt3A = arith.constant 1.500000e+00 : f32
    %gt3A_134 = vector.broadcast %gt3A : f32 to vector<64x512xf32>
    %gt3A_135 = arith.cmpf ogt, %sqrt3A, %gt3A_134 : vector<64x512xf32>
    %jit3A = arith.constant 0.000000e+00 : f32
    %broadcast_in_dim3A = vector.broadcast %jit3A : f32 to vector<64x512xf32>
    %select_n3A = arith.select %gt3A_135, %exp3A_133, %broadcast_in_dim3A : vector<64x512xi1>, vector<64x512xf32>
    %atan23A = math.atan2 %sub3A_19, %sub3A_15 : vector<64x512xf32>
    %max3A_136 = arith.constant 9.99999997E-7 : f32
    %max3A_137 = vector.broadcast %max3A_136 : f32 to vector<64x512xf32>
    %max3A_138 = arith.maximumf %sqrt3A, %max3A_137 : vector<64x512xf32>
    %div3A_139 = arith.divf %sub3A_23, %max3A_138 : vector<64x512xf32>
    %jit3A_140 = arith.constant -1.000000e+00 : f32
    %jit3A_141 = arith.constant 1.000000e+00 : f32
    %max3A_142 = vector.broadcast %jit3A_140 : f32 to vector<64x512xf32>
    %max3A_143 = arith.maximumf %max3A_142, %div3A_139 : vector<64x512xf32>
    %min3A = vector.broadcast %jit3A_141 : f32 to vector<64x512xf32>
    %min3A_144 = arith.minimumf %min3A, %max3A_143 : vector<64x512xf32>
    %mul3A_145 = arith.mulf %min3A_144, %min3A_144 : vector<64x512xf32>
    %sub3A_146 = arith.constant 1.000000e+00 : f32
    %sub3A_147 = vector.broadcast %sub3A_146 : f32 to vector<64x512xf32>
    %sub3A_148 = arith.subf %sub3A_147, %mul3A_145 : vector<64x512xf32>
    %sqrt3A_149 = math.sqrt %sub3A_148 : vector<64x512xf32>
    %add3A_150 = arith.constant 1.000000e+00 : f32
    %add3A_151 = vector.broadcast %add3A_150 : f32 to vector<64x512xf32>
    %add3A_152 = arith.addf %add3A_151, %sqrt3A_149 : vector<64x512xf32>
    %atan23A_153 = math.atan2 %min3A_144, %add3A_152 : vector<64x512xf32>
    %mul3A_154 = arith.constant 2.000000e+00 : f32
    %mul3A_155 = vector.broadcast %mul3A_154 : f32 to vector<64x512xf32>
    %mul3A_156 = arith.mulf %mul3A_155, %atan23A_153 : vector<64x512xf32>
    %add3A_157 = arith.constant 3.14159274 : f32
    %add3A_158 = vector.broadcast %add3A_157 : f32 to vector<64x512xf32>
    %add3A_159 = arith.addf %atan23A, %add3A_158 : vector<64x512xf32>
    %div3A_160 = arith.constant 6.28318548 : f32
    %div3A_161 = vector.broadcast %div3A_160 : f32 to vector<64x512xf32>
    %div3A_162 = arith.divf %add3A_159, %div3A_161 : vector<64x512xf32>
    %mul3A_163 = arith.constant 2.560000e+02 : f32
    %mul3A_164 = vector.broadcast %mul3A_163 : f32 to vector<64x512xf32>
    %mul3A_165 = arith.mulf %div3A_162, %mul3A_164 : vector<64x512xf32>
    %convert_element_type3A = arith.fptosi %mul3A_165 : vector<64x512xf32> to vector<64x512xi32>
    %jit3A_166 = arith.constant 0 : i32
    %jit3A_167 = arith.constant 255 : i32
    %max3A_168 = vector.broadcast %jit3A_166 : i32 to vector<64x512xi32>
    %max3A_169 = arith.maxsi %max3A_168, %convert_element_type3A : vector<64x512xi32>
    %min3A_170 = vector.broadcast %jit3A_167 : i32 to vector<64x512xi32>
    %min3A_171 = arith.minsi %min3A_170, %max3A_169 : vector<64x512xi32>
    %add3A_172 = arith.constant 1.57079637 : f32
    %add3A_173 = vector.broadcast %add3A_172 : f32 to vector<64x512xf32>
    %add3A_174 = arith.addf %mul3A_156, %add3A_173 : vector<64x512xf32>
    %div3A_175 = arith.constant 3.14159274 : f32
    %div3A_176 = vector.broadcast %div3A_175 : f32 to vector<64x512xf32>
    %div3A_177 = arith.divf %add3A_174, %div3A_176 : vector<64x512xf32>
    %mul3A_178 = arith.constant 2.560000e+02 : f32
    %mul3A_179 = vector.broadcast %mul3A_178 : f32 to vector<64x512xf32>
    %mul3A_180 = arith.mulf %div3A_177, %mul3A_179 : vector<64x512xf32>
    %convert_element_type3A_181 = arith.fptosi %mul3A_180 : vector<64x512xf32> to vector<64x512xi32>
    %jit3A_182 = arith.constant 0 : i32
    %jit3A_183 = arith.constant 255 : i32
    %max3A_184 = vector.broadcast %jit3A_182 : i32 to vector<64x512xi32>
    %max3A_185 = arith.maxsi %max3A_184, %convert_element_type3A_181 : vector<64x512xi32>
    %min3A_186 = vector.broadcast %jit3A_183 : i32 to vector<64x512xi32>
    %min3A_187 = arith.minsi %min3A_186, %max3A_185 : vector<64x512xi32>
    %mul3A_188 = arith.constant 32768 : i32
    %mul3A_189 = arith.muli %arg0, %mul3A_188 : i32
    %iota3A = tpu.iota {dimensions = array<i32: 0>} : vector<64x512xi32>
    %mul3A_190 = arith.constant 512 : i32
    %mul3A_191 = vector.broadcast %mul3A_190 : i32 to vector<64x512xi32>
    %mul3A_192 = arith.muli %mul3A_191, %iota3A : vector<64x512xi32>
    %add3A_193 = vector.broadcast %mul3A_189 : i32 to vector<64x512xi32>
    %add3A_194 = arith.addi %add3A_193, %mul3A_192 : vector<64x512xi32>
    %iota3A_195 = tpu.iota {dimensions = array<i32: 1>} : vector<64x512xi32>
    %add3A_196 = arith.addi %add3A_194, %iota3A_195 : vector<64x512xi32>
    %lt3A = arith.constant 500000 : i32
    %lt3A_197 = vector.broadcast %lt3A : i32 to vector<64x512xi32>
    %lt3A_198 = arith.cmpi slt, %add3A_196, %lt3A_197 : vector<64x512xi32>
    %mul3A_199 = arith.constant 256 : i32
    %mul3A_200 = vector.broadcast %mul3A_199 : i32 to vector<64x512xi32>
    %mul3A_201 = arith.muli %min3A_187, %mul3A_200 : vector<64x512xi32>
    %add3A_202 = arith.addi %mul3A_201, %min3A_171 : vector<64x512xi32>
    %jit3A_203 = arith.constant 0 : i32
    %broadcast_in_dim3A_204 = vector.broadcast %jit3A_203 : i32 to vector<64x512xi32>
    %select_n3A_205 = arith.select %lt3A_198, %add3A_202, %broadcast_in_dim3A_204 : vector<64x512xi1>, vector<64x512xi32>
    %swap3A = arith.constant 0 : index
    %swap3A_206 = arith.constant 0 : index
    %swap3A_207 = vector.load %arg8[%swap3A, %swap3A_206] : memref<64x512xi32, #tpu.memory_space<vmem>>, vector<64x512xi32>
    tpu.vector_store %arg8[%swap3A, %swap3A_206], %select_n3A_205 {strides = array<i32>} : memref<64x512xi32, #tpu.memory_space<vmem>>, vector<64x512xi32>,
    %mul3A_208 = arith.mulf %mul3A_75, %select_n3A : vector<64x512xf32>
    %jit3A_209 = arith.constant 0.000000e+00 : f32
    %broadcast_in_dim3A_210 = vector.broadcast %jit3A_209 : f32 to vector<64x512xf32>
    %select_n3A_211 = arith.select %lt3A_198, %mul3A_208, %broadcast_in_dim3A_210 : vector<64x512xi1>, vector<64x512xf32>
    %swap3A_212 = arith.constant 0 : index
    %swap3A_213 = arith.constant 0 : index
    %swap3A_214 = vector.load %arg9[%swap3A_212, %swap3A_213] : memref<64x512xf32, #tpu.memory_space<vmem>>, vector<64x512xf32>
    tpu.vector_store %arg9[%swap3A_212, %swap3A_213], %select_n3A_211 {strides = array<i32>} : memref<64x512xf32, #tpu.memory_space<vmem>>, vector<64x512xf32>,
    %mul3A_215 = arith.mulf %mul3A_79, %select_n3A : vector<64x512xf32>
    %jit3A_216 = arith.constant 0.000000e+00 : f32
    %broadcast_in_dim3A_217 = vector.broadcast %jit3A_216 : f32 to vector<64x512xf32>
    %select_n3A_218 = arith.select %lt3A_198, %mul3A_215, %broadcast_in_dim3A_217 : vector<64x512xi1>, vector<64x512xf32>
    %swap3A_219 = arith.constant 0 : index
    %swap3A_220 = arith.constant 0 : index
    %swap3A_221 = vector.load %arg10[%swap3A_219, %swap3A_220] : memref<64x512xf32, #tpu.memory_space<vmem>>, vector<64x512xf32>
    tpu.vector_store %arg10[%swap3A_219, %swap3A_220], %select_n3A_218 {strides = array<i32>} : memref<64x512xf32, #tpu.memory_space<vmem>>, vector<64x512xf32>,
    return
  }
  func.func @transform_0(%arg0: i32) -> i32 {
    %c0_i32 = arith.constant 0 : i32
    %c0_i32_0 = arith.constant 0 : i32
    return %c0_i32 : i32
  }
  func.func @transform_1(%arg0: i32) -> i32 {
    %c0_i32 = arith.constant 0 : i32
    %c0_i32_0 = arith.constant 0 : i32
    return %c0_i32 : i32
  }
  func.func @transform_2(%arg0: i32) -> (i32, i32) {
    %c0_i32 = arith.constant 0 : i32
    %c0_i32_0 = arith.constant 0 : i32
    return %c0_i32, %arg0 : i32, i32
  }
  func.func @transform_3(%arg0: i32) -> (i32, i32) {
    %c0_i32 = arith.constant 0 : i32
    %c0_i32_0 = arith.constant 0 : i32
    return %c0_i32, %arg0 : i32, i32
  }
  func.func @transform_4(%arg0: i32) -> (i32, i32) {
    %c0_i32 = arith.constant 0 : i32
    %c0_i32_0 = arith.constant 0 : i32
    return %c0_i32, %arg0 : i32, i32
  }
  func.func @transform_5(%arg0: i32) -> (i32, i32) {
    %c0_i32 = arith.constant 0 : i32
    %c0_i32_0 = arith.constant 0 : i32
    return %c0_i32, %arg0 : i32, i32
  }
  func.func @transform_6(%arg0: i32) -> (i32, i32) {
    %c0_i32 = arith.constant 0 : i32
    %c0_i32_0 = arith.constant 0 : i32
    return %c0_i32, %arg0 : i32, i32
  }
  func.func @transform_7(%arg0: i32) -> (i32, i32) {
    %c0_i32 = arith.constant 0 : i32
    %c0_i32_0 = arith.constant 0 : i32
    return %arg0, %c0_i32 : i32, i32
  }
  func.func @transform_8(%arg0: i32) -> (i32, i32) {
    %c0_i32 = arith.constant 0 : i32
    %c0_i32_0 = arith.constant 0 : i32
    return %arg0, %c0_i32 : i32, i32
  }
  func.func @transform_9(%arg0: i32) -> (i32, i32) {
    %c0_i32 = arith.constant 0 : i32
    %c0_i32_0 = arith.constant 0 : i32
    return %arg0, %c0_i32 : i32, i32
  }
}

</mosaic_0001>

<sc_bundles>
// kernel: kernel.5.cloned.1.call-start
scs
__scs_entry_jumppad:
0x0: {  	(pc) =	sbr.rel $0x88, $3  }
0x1: {  	(tag) =	ssettag $0x0;
	lr =	simm.s32 $0x1  }
0x2: {  	[smem:$0x3F99] =	sst lr;
	_ =	strace $0xD0000000  }
0x3: {  	_ = 	snop  }
0x4: {  	_ = 	snop  }
0x5: {  	_ = 	snop  }
0x6: {  	_ = 	snop  }
0x7: {  	_ = 	snop  }
__scs_overlays_trampoline_lowered:
0x8: {  	[smem:$0x3FA8] =	sst s0  }
0x9: {  	[smem:$0x3FA9] =	sst s1  }
0xa: {  	[smem:$0x3FAA] =	sst s2  }
0xb: {  	[smem:$0x3FAB] =	sst s3  }
0xc: {  	[smem:$0x3FAC] =	sst s4  }
0xd: {  	[smem:$0x3FAD] =	sst s5  }
0xe: {  	[smem:$0x3FAE] =	sst s6  }
0xf: {  	[smem:$0x3FAF] =	sst s7  }
0x10: {  	[smem:$0x3FB0] =	sst s8  }
0x11: {  	[smem:$0x3FB1] =	sst s9;
	s0 =	simm.s32 @!p0 $0x0  }
0x12: {  	s1 =	sld [smem:$0x3F97];
	s0 =	simm.s32 @p0 $0x1  }
0x13: {  	[smem:$0x3FB2] =	sst s0;
	s0 =	simm.s32 @!p1 $0x0  }
0x14: {  	s2 =	sld [smem:$0x3F96];
	s0 =	simm.s32 @p1 $0x1  }
0x15: {  	[smem:$0x3FB3] =	sst s0;
	s0 =	simm.s32 @!p2 $0x0  }
0x16: {  	s3 =	sld [smem:$0x3FDB];
	s0 =	simm.s32 @p2 $0x1  }
0x17: {  	s4 =	simm.s32 $0x1BF5;
	[smem:$0x3FB5] =	sst s0  }
0x18: {  	s0 =	sld [smem:$0x3F98];
	_ =	swait.ge [sflag:s4], $0x0  }
0x19: {  	s7 =	sld [smem:$0x3F99]  }
0x1a: {  	s8 =	sadd.s32 $0xFFFFE003, lr  }
0x1b: {  	s9 =	sadd.s32 $0xFFFFFEF7, lr;
	s5 =	simm.s32 $0xFFFFFFFF;
	p2 =	slt.u32 s8, $0xFFFFF086  }
0x1c: {  	p1 =	slt.u32 s9, $0xF7A;
	s5 =	simm.s32 @!p2 $0x0  }
0x1d: {  	s5 =	simm.s32 @p1 $0x1;
	p0 =	seq.s32 s7, s2  }
0x1e: {  	s7 =	smul.u32 @!p0 $0xF7A, s2;
	p2 =	seq.s32 @!p0 s5, $0x0  }
0x1f: {  	s9 =	smul.u32 $0xF7A, s1;
	s8 =	simm.s32 @!p0 $0x1BF5;
	p2 =	por !p2, p0  }
0x20: {  	[sflag:s8] =	ssyncset.s32 @!p0 $0xFFFFF086;
	s6 =	sadd.s32 @!p0 s3, s7;
	s7 =	simm.s32 @!p0 $0x108  }
0x21: {  	s3 =	sadd.s32 s3, s9;
	s6 =	sadd.s32 @!p0 $0x88, s6;
	s7 =	simm.s32 @p2 $0x1082  }
0x22: {  	[simem:s7], [sflag:s8] =	dma.local @!p0 [hbm:s6], $0xF7A  }
0x23: {  	s9 =	sor.u32 $0xD0000000, s2;
	s6 =	simm.s32 $0x108;
	_ =	swait.ge @!p0 [sflag:s8], $0x0  }
0x24: {  	s3 =	sadd.s32 $0x88, s3;
	s6 =	simm.s32 @!p1 $0x1082;
	[sflag:s4] =	ssyncset.s32 $0xFFFFF086  }
0x25: {  	[simem:s6], [sflag:s4] =	dma.local [hbm:s3], $0xF7A  }
0x26: {  	[smem:$0x3F99] =	sst s1;
	(tag) =	ssettag s2;
	_ =	strace s9  }
0x27: {  	s1 =	sld [smem:$0x3FA9]  }
0x28: {  	s2 =	sld [smem:$0x3FAA]  }
0x29: {  	s4 =	sld [smem:$0x3FAC]  }
0x2a: {  	p0 =	seq.s32 s5, $0x0;
	s5 =	sld [smem:$0x3FAD]  }
0x2b: {  	s6 =	sld [smem:$0x3FAE]  }
0x2c: {  	s7 =	sld [smem:$0x3FAF]  }
0x2d: {  	s3 =	simm.s32 $0x108;
	s8 =	sld [smem:$0x3FB0]  }
0x2e: {  	s3 =	simm.s32 @!p0 $0x1082;
	s9 =	sld [smem:$0x3FB1]  }
0x2f: {  	lr =	sadd.s32 s0, s3;
	s0 =	sld [smem:$0x3FA8]  }
0x30: {  	s3 =	sld [smem:$0x3FAB]  }
0x31: {  	[smem:$0x3FB4] =	sst s10  }
0x32: {  	s10 =	sld [smem:$0x3FB2];
	_ =	sdelay $0x3  }
0x33: {  	p0 =	seq.s32 s10, $0x1;
	s10 =	sld [smem:$0x3FB4];
	_ =	sdelay $0x3  }
0x34: {  	[smem:$0x3FB4] =	sst s10  }
0x35: {  	s10 =	sld [smem:$0x3FB3];
	_ =	sdelay $0x3  }
0x36: {  	p1 =	seq.s32 s10, $0x1;
	s10 =	sld [smem:$0x3FB4];
	_ =	sdelay $0x3  }
0x37: {  	[smem:$0x3FB4] =	sst s10  }
0x38: {  	s10 =	sld [smem:$0x3FB5]  }
0x39: {  	_ = 	snop;
	(pc) =	sbr.ind lr, $3  }
0x3a: {  	_ = 	snop  }
0x3b: {  	_ = 	snop  }
0x3c: {  	p2 =	seq.s32 s10, $0x1;
	s10 =	sld [smem:$0x3FB4]  }
0x3d: {  	_ =	shalt  }
0x3e: {  	_ =	shalt  }
0x3f: {  	_ =	shalt  }
0x40: {  	_ =	shalt  }
0x41: {  	_ =	shalt  }
0x42: {  	_ =	shalt  }
0x43: {  	_ =	shalt  }
0x44: {  	_ =	shalt  }
0x45: {  	_ =	shalt  }
0x46: {  	_ =	shalt  }
0x47: {  	_ =	shalt  }
0x48: {  	_ =	shalt  }
0x49: {  	_ =	shalt  }
0x4a: {  	_ =	shalt  }
0x4b: {  	_ =	shalt  }
0x4c: {  	_ =	shalt  }
0x4d: {  	_ =	shalt  }
0x4e: {  	_ =	shalt  }
0x4f: {  	_ =	shalt  }
0x50: {  	_ =	shalt  }
0x51: {  	_ =	shalt  }
0x52: {  	_ =	shalt  }
0x53: {  	_ =	shalt  }
0x54: {  	_ =	shalt  }
0x55: {  	_ =	shalt  }
0x56: {  	_ =	shalt  }
0x57: {  	_ =	shalt  }
0x58: {  	_ =	shalt  }
0x59: {  	_ =	shalt  }
0x5a: {  	_ =	shalt  }
0x5b: {  	_ =	shalt  }
0x5c: {  	_ =	shalt  }
0x5d: {  	_ =	shalt  }
0x5e: {  	_ =	shalt  }
0x5f: {  	_ =	shalt  }
0x60: {  	_ =	shalt  }
0x61: {  	_ =	shalt  }
0x62: {  	_ =	shalt  }
0x63: {  	_ =	shalt  }
0x64: {  	_ =	shalt  }
0x65: {  	_ =	shalt  }
0x66: {  	_ =	shalt  }
0x67: {  	_ =	shalt  }
0x68: {  	_ =	shalt  }
0x69: {  	_ =	shalt  }
0x6a: {  	_ =	shalt  }
0x6b: {  	_ =	shalt  }
0x6c: {  	_ =	shalt  }
0x6d: {  	_ =	shalt  }
0x6e: {  	_ =	shalt  }
0x6f: {  	_ =	shalt  }
0x70: {  	_ =	shalt  }
0x71: {  	_ =	shalt  }
0x72: {  	_ =	shalt  }
0x73: {  	_ =	shalt  }
0x74: {  	_ =	shalt  }
0x75: {  	_ =	shalt  }
0x76: {  	_ =	shalt  }
0x77: {  	_ =	shalt  }
0x78: {  	_ =	shalt  }
0x79: {  	_ =	shalt  }
0x7a: {  	_ =	shalt  }
0x7b: {  	_ =	shalt  }
0x7c: {  	_ =	shalt  }
0x7d: {  	_ =	shalt  }
0x7e: {  	_ =	shalt  }
0x7f: {  	_ =	shalt  }
0x80: {  	_ =	shalt  }
0x81: {  	_ =	shalt  }
0x82: {  	_ =	shalt  }
0x83: {  	_ =	shalt  }
0x84: {  	_ =	shalt  }
0x85: {  	_ =	shalt  }
0x86: {  	_ =	shalt  }
0x87: {  	_ =	shalt  }
.Lfunc_end0:
.L_simem_size_0:
called_computation_lowered:
.L_overlay_start_0:
0x88: {  	s2 =	sld [smem:$0x3FD9]  }
0x89: {  	s3 =	sld [smem:$0x3FFE];
	_ =	sdelay $0x1  }
0x8a: {  	s1 =	srdreg.scid  }
0x8b: {  	s0 =	sand.u32 $0x1, s1  }
0x8c: {  	s16 =	sshll.u32 s0, $0xA;
	s2 =	sadd.s32 s3, s2  }
0x8d: {  	s2 =	sadd.s32 s2, s16  }
0x8e: {  	[smem:$0x3FC0] =	sst s2  }
0x8f: {  	_ = 	snop  }
0x90: {  	(tm) =	ssettm $0x1  }
0x91: {  	s17 =	sld [smem:$0x3FFB];
	_ =	sdelay $0x3  }
0x92: {  	_ =	strace s17  }
0x93: {  	s2 =	sld [smem:$0x3FFC];
	_ =	sdelay $0x3  }
0x94: {  	_ =	strace s2  }
0x95: {  	s2 =	sld [smem:$0x3FFD];
	_ =	sdelay $0x3  }
0x96: {  	_ =	strace s2  }
0x97: {  	_ =	strace $0x8FFFFFFF  }
0x98: {  	s18 =	sld [smem:$0x3FDB];
	_ =	sdelay $0x1  }
0x99: {  	s19 =	simm.s32 $_scs_section_size  }
0x9a: {  	s4 =	simm.s32 $_size__tile_overlayer_lowered;
	s5 =	simm.s32 $_tile_overlayer_lowered  }
0x9b: {  	s22 =	simm.s32 $0x1BFF;
	s21 =	sshll.u32 s5, $0x1;
	s2 =	sadd.s32 s19, s18  }
0x9c: {  	s6 =	simm.s32 $0x0;
	s20 =	sshll.u32 s4, $0x1;
	s4 =	sadd.s32 s21, s2  }
0x9d: {  	[timem:s6], [sflag:s22] =	dma.local [hbm:s4], s20  }
0x9e: {  	_ =	swait.ge [sflag:s22], s20  }
0x9f: {  	s3 =	ssub.s32 $0x0, s20;
	[sflag:s22] =	ssyncset.done $0x0  }
0xa0: {  	[sflag:s22] =	ssyncadd.s32 s3;
	_ =	sdelay $0x1  }
0xa1: {  	s23 =	simm.s32 $0x1B8B  }
0xa2: {  	_ =	swait.ge [sflag:s23], $0x1  }
0xa3: {  	[sflag:s23] =	ssyncset.done $0x0  }
0xa4: {  	s25 =	simm.s32 $0x1B8E;
	s24 =	sld [smem:$0x3FFE];
	[sflag:s23] =	ssyncadd.s32 $0xFFFFFFFF  }
0xa5: {  	s26 =	simm.s32 $execute0_lowered;
	[smem:$0x3FD2] =	sst s25  }
0xa6: {  	s4 =	sshll.u32 s26, $0x1;
	_ =	strace $0x80000046;
	[dreg:$0x1] =	wrdreg $0xFFFFFFFF  }
0xa7: {  	s28 =	simm.s32 $_size_execute0_lowered;
	s2 =	sadd.s32 s2, s4;
	[dreg:$0x0] =	wrdreg $0x0  }
0xa8: {  	s4 =	sshll.u32 s28, $0x1;
	[dreg:$0x2] =	wrdreg s2  }
0xa9: {  	[dreg:$0x3] =	wrdreg s4  }
0xaa: {  	[dreg:$0x4] =	wrdreg $0xC0  }
0xab: {  	_ =	task [dreg:s6], $0x5FFFF  }
0xac: {  	[dreg:$0x1] =	wrdreg $0xFFFFFFFF  }
0xad: {  	[dreg:$0x0] =	wrdreg $0x60  }
0xae: {  	[dreg:$0x2] =	wrdreg s24  }
0xaf: {  	[dreg:$0x3] =	wrdreg $0x1C2000  }
0xb0: {  	[dreg:$0x4] =	wrdreg $0x1D2000  }
0xb1: {  	[dreg:$0x5] =	wrdreg $0x9  }
0xb2: {  	_ =	task.clear_ibuf [dreg:s6], $0x6FFFF;
	_ =	strace $0x90000046  }
0xb3: {  	s29 =	simm.s32 $0x9;
	_ =	strace $0x80000048  }
0xb4: {  	_ =	swait.ge [sflag:s29], $0x1  }
0xb5: {  	[sflag:s29] =	ssyncadd.s32 $0xFFFFFFFF  }
0xb6: {  	_ =	strace $0x90000048  }
0xb7: {  	_ =	sfence  }
0xb8: {  	s30 =	sld [smem:$0x0];
	_ =	sdelay $0x2  }
0xb9: {  	s31 =	sshll.u32 s1, $0xD;
	s1 =	sshrl.u32 s1, $0x2  }
0xba: {  	s3 =	sand.u32 $0x4000, s31;
	s1 =	sadd.s32 s1, s30  }
0xbb: {  	s0 =	sor.u32 s3, s0;
	s1 =	sshll.u32 s1, $0x11  }
0xbc: {  	s0 =	sor.u32 s1, s0  }
0xbd: {  	s0 =	sadd.s32 $0x8F2B, s0  }
0xbe: {  	[sflag:s0] =	ssyncadd.remote.s32 $0x1  }
0xbf: {  	_ =	sfence.sel $0xFFFF  }
0xc0: {  	[dreg:$0x0] =	wrdreg $0xFFFFFFFF;
	(pc) =	sbr.abs _section_cstart, $3  }
0xc1: {  	[dreg:$0x1] =	wrdreg $0xFFFFFFFF  }
0xc2: {  	_ =	task.clear_ibuf [dreg:s6], $0x2FFFF;
	_ =	strace $0x9FFFFFFF  }
0xc3: {  	(tm) =	ssettm $0x7FFFFFFF  }
tec
execute0_lowered:
.L_overlay_start_1:
0x0: {  	(tag) =	ssettag $0x1  }
0x1: {  	s5 =	rddreg [dreg:$0x0]  }
0x2: {  	s1 =	rddreg [dreg:$0x1]  }
0x3: {  	s2 =	rddreg [dreg:$0x2]  }
0x4: {  	s0 =	rddreg [dreg:$0x3]  }
0x5: {  	s3 =	simm.s32 $0x0;
	s6 =	srdreg.scid;
	s4 =	stileid.u32  }
0x6: {  	s13 =	simm.s32 $0x1;
	s14 =	simm.s32 $0x2;
	s15 =	simm.s32 $0xC000  }
0x7: {  	s16 =	simm.s32 $0x200;
	s17 =	simm.s32 $0x1C000;
	s18 =	simm.s32 $0x4  }
0x8: {  	s19 =	simm.s32 $0x3;
	s22 =	simm.s32 $0x0;
	[smem:$0x7FF] =	sst s3  }
0x9: {  	s6 =	sand.u32 $0x1, s6;
	s10 =	sshll.u32 s4, $0xC;
	s9 =	sshll.u32 s4, $0xB  }
0xa: {  	p0 =	sne.s32 s4, $0x0;
	_ =	strace $0x80000047;
	s7 =	sshll.u32 s6, $0xF  }
0xb: {  	s8 =	sshll.u32 s6, $0x11;
	s6 =	ssub.s32 $0x2, s6;
	s20 =	sadd.s32 s10, s1  }
0xc: {  	s21 =	sadd.s32 s10, s2;
	s8 =	sor.u32 s10, s8;
	s7 =	sor.u32 s9, s7  }
0xd: {  	s31 =	sshrl.u32 s6, $0x1;
	s20 =	sshrl.u32 s20, $0x3;
	s21 =	sshrl.u32 s21, $0x3  }
0xe: {  	s8 =	sshrl.u32 s8, $0x3;
	s7 =	sadd.s32 s7, s5;
	s12 =	ssub.s32 s6, s31  }
0xf: {  	s11 =	sadd.s32 s8, s5;
	s5 =	sadd.s32 $0xA00, s7;
	s6 =	sadd.s32 $0x10A00, s7  }
0x10: {  	s7 =	sadd.s32 $0x20A00, s7;
	s10 =	smax.u32 s12, $0x1;
	s12 =	simm.s32 $0x8000  }
0x11: {  	v0 =	vimm.f32 $0.0e+00;
	v1 =	vlaneseq.u32;
	s8 =	sadd.s32 $0x30A00, s11;
	s9 =	sadd.s32 $0x32A00, s11;
	s11 =	simm.s32 $0x4000  }
.LBB2_1:
0x12: {  	[tilespmem:s3], [sflag:$0x1] =	stream.linear.gather [hbm4b:s5+s3], $0x4000, $0x38;
	[tilespmem:$0x1E200] =	vst v63  }
0x13: {  	_ = 	snop  }
0x14: {  	[tilespmem:s11], [sflag:$0x2] =	stream.linear.gather [hbm4b:s6+s3], $0x4000, $0x38;
	[tilespmem:$0x1E200] =	vst v63  }
0x15: {  	s25 =	simm.s32 $0xC040  }
0x16: {  	[tilespmem:s12], [sflag:$0x3] =	stream.linear.gather [hbm4b:s7+s3], $0x4000, $0x38;
	[tilespmem:$0x1E200] =	vst v63  }
0x17: {  	[tilespmem:s25+$0xFFFFFFC0] =	vst v0  }
0x18: {  	[tilespmem:s25+$0x30] =	vst v0  }
0x19: {  	[tilespmem:s25+$0x20] =	vst v0  }
0x1a: {  	[tilespmem:s25+$0x10] =	vst v0  }
0x1b: {  	[tilespmem:s25+$0x0] =	vst v0  }
0x1c: {  	[tilespmem:s25+$0xFFFFFFF0] =	vst v0  }
0x1d: {  	s26 =	simm.s32 $0x0;
	s23 =	simm.s32 $0x1C020;
	[tilespmem:s25+$0xFFFFFFE0] =	vst v0  }
.LBB2_2:
0x1e: {  	s26 =	sadd.s32 $0x8, s26;
	[tilespmem:s25+$0xFFFFFFD0] =	vst v0;
	s25 =	sadd.s32 $0x80, s25  }
0x1f: {  	[tilespmem:s25+$0xFFFFFFC0] =	vst v0;
	p1 =	slt.u32 s26, $0xFF8  }
0x20: {  	[tilespmem:s25+$0x30] =	vst v0  }
.Ltmp0:
0x21: {  	[tilespmem:s25+$0x20] =	vst v0;
	(pc) =	sbr.rel @p1 .LBB2_2-.Ltmp0, $4  }
0x22: {  	[tilespmem:s25+$0x10] =	vst v0  }
0x23: {  	[tilespmem:s25+$0x0] =	vst v0  }
0x24: {  	[tilespmem:s25+$0xFFFFFFF0] =	vst v0  }
0x25: {  	s24 =	simm.s32 $0x0;
	[tilespmem:s25+$0xFFFFFFE0] =	vst v0  }
0x26: {  	[tilespmem:s25+$0xFFFFFFD0] =	vst v0;
	v2 =	vor.u32 s24, v1;
	s26 =	simm.s32 $0x10;
	s28 =	simm.s32 $0x20;
	s29 =	simm.s32 $0x30  }
0x27: {  	s25 =	simm.s32 $0x0;
	[tilespmem:s23+$0xFFFFFFE0] =	vst v2;
	v3 =	vor.u32 s26, v1;
	v2 =	vor.u32 s28, v1;
	v4 =	vor.u32 s29, v1;
	s26 =	simm.s32 $0x1C020  }
.LBB2_4:
0x28: {  	s25 =	sadd.s32 $0x4, s25  }
0x29: {  	[tilespmem:s23+$0x10] =	vst v4;
	s24 =	sadd.s32 $0x40, s24;
	s26 =	sadd.s32 $0x40, s26;
	p1 =	slt.u32 s25, $0x1C  }
.Ltmp1:
0x2a: {  	[tilespmem:s23+$0xFFFFFFF0] =	vst v3;
	(pc) =	sbr.rel @p1 .LBB2_4-.Ltmp1, $3  }
0x2b: {  	[tilespmem:s23+$0x0] =	vst v2;
	s23 =	smov.u32 s26;
	_ =	sdelay $0x1  }
0x2c: {  	s28 =	sadd.s32 $0x10, s24;
	s29 =	sadd.s32 $0x20, s24;
	s30 =	sadd.s32 $0x30, s24;
	v2 =	vor.u32 s24, v1  }
0x2d: {  	v3 =	vor.u32 s28, v1;
	v4 =	vor.u32 s30, v1;
	[tilespmem:s26+$0xFFFFFFE0] =	vst v2;
	v2 =	vor.u32 s29, v1  }
0x2e: {  	[tilespmem:s23+$0x10] =	vst v4  }
0x2f: {  	[tilespmem:s23+$0xFFFFFFF0] =	vst v3  }
0x30: {  	[tilespmem:s23+$0x0] =	vst v2;
	s23 =	simm.s32 @!p0 $0xC000;
	s24 =	simm.s32 @!p0 $0x4  }
0x31: {  	[spmem:s1] =	stream.linear.scatter @!p0 [tilespmem:s23], [sflag:$0x4], $0x10000, $0x38;
	[tilespmem:$0x1E200] =	vst v63  }
0x32: {  	_ =	swait.ge @!p0 [sflag:s24], $0x10000  }
0x33: {  	[sflag:s24] =	ssyncset.done @!p0 $0x0  }
0x34: {  	[sflag:s24] =	ssyncadd.s32 @!p0 $0xFFFF0000  }
0x35: {  	[spmem:s2] =	stream.linear.scatter @!p0 [tilespmem:s23], [sflag:$0x4], $0x10000, $0x38;
	[tilespmem:$0x1E200] =	vst v63  }
0x36: {  	_ =	swait.ge @!p0 [sflag:s24], $0x10000  }
0x37: {  	[sflag:s24] =	ssyncset.done @!p0 $0x0  }
0x38: {  	[sflag:s24] =	ssyncadd.s32 @!p0 $0xFFFF0000  }
0x39: {  	[bflag:$0x0] =	sbarrier.arrive $0xFFFF  }
0x3a: {  	_ =	swait.ge [sflag:s13], $0x4000  }
0x3b: {  	s30 =	simm.s32 $0x0;
	[sflag:s13] =	ssyncset.done $0x0  }
0x3c: {  	s26 =	simm.s32 $0x0;
	s23 =	simm.s32 $0x0;
	[sflag:s13] =	ssyncadd.s32 $0xFFFFC000  }
0x3d: {  	s25 =	sand.u32 $0xC00, s23;
	s24 =	sand.u32 $0x3000, s30;
	_ =	swait.ge [sflag:s14], $0x4000  }
0x3e: {  	s31 =	sand.u32 $0x380, s26;
	s24 =	sor.u32 s25, s24;
	[sflag:s14] =	ssyncset.done $0x0  }
0x3f: {  	s24 =	sor.u32 s31, s24;
	[sflag:s14] =	ssyncadd.s32 $0xFFFFC000  }
0x40: {  	v4 =	vld [tilespmem:s24+$0x70]  }
0x41: {  	v12 =	vld [tilespmem:s24+$0x0]  }
0x42: {  	v13 =	vld [tilespmem:s24+$0x10]  }
0x43: {  	v7 =	vld [tilespmem:s24+$0x4070]  }
0x44: {  	v6 =	vld [tilespmem:s24+$0x20]  }
0x45: {  	v5 =	vld [tilespmem:s24+$0x30]  }
0x46: {  	v3 =	vld [tilespmem:s24+$0x40]  }
0x47: {  	v2 =	vld [tilespmem:s24+$0x50]  }
0x48: {  	v14 =	vld [tilespmem:s24+$0x4000]  }
0x49: {  	v15 =	vld [tilespmem:s24+$0x4010]  }
0x4a: {  	v11 =	vld [tilespmem:s24+$0x4020]  }
0x4b: {  	v10 =	vld [tilespmem:s24+$0x4030]  }
0x4c: {  	v9 =	vld [tilespmem:s24+$0x4040]  }
0x4d: {  	v8 =	vld [tilespmem:s24+$0x4050]  }
0x4e: {  	[tilespmem:v4+s15+$0x0] =	vst.idx.add.f32.msk $0xffff, v7  }
0x4f: {  	v4 =	vld [tilespmem:s24+$0x60]  }
0x50: {  	v7 =	vld [tilespmem:s24+$0x4060]  }
0x51: {  	[tilespmem:v12+s15+$0x0] =	vst.idx.add.f32.msk $0xffff, v14  }
0x52: {  	s24 =	simm.s32 $0x0;
	[tilespmem:v13+s15+$0x0] =	vst.idx.add.f32.msk $0xffff, v15  }
.LBB2_6:
0x53: {  	s24 =	sadd.s32 $0x8, s24;
	[tilespmem:v6+s15+$0x0] =	vst.idx.add.f32.msk $0xffff, v11  }
0x54: {  	s23 =	sadd.s32 $0x400, s23;
	s25 =	sshll.u32 s24, $0x4;
	p1 =	slt.u32 s24, $0x3F8;
	[tilespmem:v5+s15+$0x0] =	vst.idx.add.f32.msk $0xffff, v10  }
0x55: {  	s26 =	sand.u32 $0xC00, s23;
	s28 =	sshll.u32 s24, $0x2;
	s25 =	sand.u32 $0x3000, s25;
	[tilespmem:v3+s15+$0x0] =	vst.idx.add.f32.msk $0xffff, v9  }
0x56: {  	s25 =	sor.u32 s26, s25;
	s26 =	sand.u32 $0x380, s28;
	[tilespmem:v2+s15+$0x0] =	vst.idx.add.f32.msk $0xffff, v8  }
0x57: {  	s25 =	sor.u32 s26, s25;
	[tilespmem:v4+s15+$0x0] =	vst.idx.add.f32.msk $0xffff, v7  }
0x58: {  	v4 =	vld [tilespmem:s25+$0x70]  }
0x59: {  	v12 =	vld [tilespmem:s25+$0x0]  }
0x5a: {  	v13 =	vld [tilespmem:s25+$0x10]  }
0x5b: {  	v7 =	vld [tilespmem:s25+$0x4070]  }
0x5c: {  	v6 =	vld [tilespmem:s25+$0x20]  }
0x5d: {  	v5 =	vld [tilespmem:s25+$0x30]  }
0x5e: {  	v3 =	vld [tilespmem:s25+$0x40]  }
0x5f: {  	v2 =	vld [tilespmem:s25+$0x50]  }
0x60: {  	[tilespmem:v4+s15+$0x0] =	vst.idx.add.f32.msk $0xffff, v7  }
0x61: {  	v4 =	vld [tilespmem:s25+$0x60]  }
0x62: {  	v14 =	vld [tilespmem:s25+$0x4000]  }
0x63: {  	v15 =	vld [tilespmem:s25+$0x4010]  }
0x64: {  	v11 =	vld [tilespmem:s25+$0x4020]  }
0x65: {  	v10 =	vld [tilespmem:s25+$0x4030]  }
.Ltmp2:
0x66: {  	v9 =	vld [tilespmem:s25+$0x4040];
	(pc) =	sbr.rel @p1 .LBB2_6-.Ltmp2, $4  }
0x67: {  	v8 =	vld [tilespmem:s25+$0x4050]  }
0x68: {  	v7 =	vld [tilespmem:s25+$0x4060]  }
0x69: {  	[tilespmem:v12+s15+$0x0] =	vst.idx.add.f32.msk $0xffff, v14  }
0x6a: {  	[tilespmem:v13+s15+$0x0] =	vst.idx.add.f32.msk $0xffff, v15  }
0x6b: {  	_ =	sdelay $0x3  }
0x6c: {  	[tilespmem:v6+s15+$0x0] =	vst.idx.add.f32.msk $0xffff, v11  }
0x6d: {  	[tilespmem:v5+s15+$0x0] =	vst.idx.add.f32.msk $0xffff, v10  }
0x6e: {  	[tilespmem:v3+s15+$0x0] =	vst.idx.add.f32.msk $0xffff, v9  }
0x6f: {  	[tilespmem:v2+s15+$0x0] =	vst.idx.add.f32.msk $0xffff, v8  }
0x70: {  	[tilespmem:v4+s15+$0x0] =	vst.idx.add.f32.msk $0xffff, v7  }
0x71: {  	[spmem:s1] =	stream.indirect.scatter.add.f32 [tilespmem:s15], [sflag:$0x4], $0x80, s17, s16, $0xb8;
	[tilespmem:$0x1E200] =	vst v63  }
0x72: {  	_ =	swait.ge [sflag:s18], $0x10000  }
0x73: {  	[sflag:s18] =	ssyncset.done $0x0  }
0x74: {  	s23 =	simm.s32 $0xC040;
	[sflag:s18] =	ssyncadd.s32 $0xFFFF0000  }
0x75: {  	[tilespmem:s23+$0xFFFFFFC0] =	vst v0  }
0x76: {  	[tilespmem:s23+$0x30] =	vst v0  }
0x77: {  	[tilespmem:s23+$0x20] =	vst v0  }
0x78: {  	[tilespmem:s23+$0x10] =	vst v0  }
0x79: {  	[tilespmem:s23+$0x0] =	vst v0  }
0x7a: {  	[tilespmem:s23+$0xFFFFFFF0] =	vst v0  }
0x7b: {  	s24 =	simm.s32 $0x0;
	[tilespmem:s23+$0xFFFFFFE0] =	vst v0  }
.LBB2_8:
0x7c: {  	s24 =	sadd.s32 $0x8, s24;
	[tilespmem:s23+$0xFFFFFFD0] =	vst v0;
	s23 =	sadd.s32 $0x80, s23  }
0x7d: {  	[tilespmem:s23+$0xFFFFFFC0] =	vst v0;
	p1 =	slt.u32 s24, $0xFF8  }
0x7e: {  	[tilespmem:s23+$0x30] =	vst v0  }
.Ltmp3:
0x7f: {  	[tilespmem:s23+$0x20] =	vst v0;
	(pc) =	sbr.rel @p1 .LBB2_8-.Ltmp3, $4  }
0x80: {  	[tilespmem:s23+$0x10] =	vst v0  }
0x81: {  	[tilespmem:s23+$0x0] =	vst v0  }
0x82: {  	[tilespmem:s23+$0xFFFFFFF0] =	vst v0  }
0x83: {  	[tilespmem:s23+$0xFFFFFFE0] =	vst v0  }
0x84: {  	[tilespmem:s23+$0xFFFFFFD0] =	vst v0;
	s23 =	simm.s32 $0x0;
	s24 =	simm.s32 $0x0;
	s26 =	simm.s32 $0x0  }
0x85: {  	_ =	swait.ge [sflag:s19], $0x4000;
	s24 =	sand.u32 $0x3000, s24;
	s25 =	sand.u32 $0xC00, s23  }
0x86: {  	s31 =	sand.u32 $0x380, s26;
	[sflag:s19] =	ssyncset.done $0x0;
	s24 =	sor.u32 s25, s24  }
0x87: {  	[sflag:s19] =	ssyncadd.s32 $0xFFFFC000;
	s24 =	sor.u32 s31, s24  }
0x88: {  	v4 =	vld [tilespmem:s24+$0x70]  }
0x89: {  	v12 =	vld [tilespmem:s24+$0x0]  }
0x8a: {  	v13 =	vld [tilespmem:s24+$0x10]  }
0x8b: {  	v7 =	vld [tilespmem:s24+$0x8070]  }
0x8c: {  	v6 =	vld [tilespmem:s24+$0x20]  }
0x8d: {  	v5 =	vld [tilespmem:s24+$0x30]  }
0x8e: {  	v3 =	vld [tilespmem:s24+$0x40]  }
0x8f: {  	v2 =	vld [tilespmem:s24+$0x50]  }
0x90: {  	v14 =	vld [tilespmem:s24+$0x8000]  }
0x91: {  	v15 =	vld [tilespmem:s24+$0x8010]  }
0x92: {  	v11 =	vld [tilespmem:s24+$0x8020]  }
0x93: {  	v10 =	vld [tilespmem:s24+$0x8030]  }
0x94: {  	v9 =	vld [tilespmem:s24+$0x8040]  }
0x95: {  	v8 =	vld [tilespmem:s24+$0x8050]  }
0x96: {  	[tilespmem:v4+s15+$0x0] =	vst.idx.add.f32.msk $0xffff, v7  }
0x97: {  	v4 =	vld [tilespmem:s24+$0x60]  }
0x98: {  	v7 =	vld [tilespmem:s24+$0x8060]  }
0x99: {  	[tilespmem:v12+s15+$0x0] =	vst.idx.add.f32.msk $0xffff, v14  }
0x9a: {  	s24 =	simm.s32 $0x0;
	[tilespmem:v13+s15+$0x0] =	vst.idx.add.f32.msk $0xffff, v15  }
.LBB2_10:
0x9b: {  	s24 =	sadd.s32 $0x8, s24;
	[tilespmem:v6+s15+$0x0] =	vst.idx.add.f32.msk $0xffff, v11  }
0x9c: {  	s23 =	sadd.s32 $0x400, s23;
	s25 =	sshll.u32 s24, $0x4;
	p1 =	slt.u32 s24, $0x3F8;
	[tilespmem:v5+s15+$0x0] =	vst.idx.add.f32.msk $0xffff, v10  }
0x9d: {  	s26 =	sand.u32 $0xC00, s23;
	s28 =	sshll.u32 s24, $0x2;
	s25 =	sand.u32 $0x3000, s25;
	[tilespmem:v3+s15+$0x0] =	vst.idx.add.f32.msk $0xffff, v9  }
0x9e: {  	s25 =	sor.u32 s26, s25;
	s26 =	sand.u32 $0x380, s28;
	[tilespmem:v2+s15+$0x0] =	vst.idx.add.f32.msk $0xffff, v8  }
0x9f: {  	s25 =	sor.u32 s26, s25;
	[tilespmem:v4+s15+$0x0] =	vst.idx.add.f32.msk $0xffff, v7  }
0xa0: {  	v4 =	vld [tilespmem:s25+$0x70]  }
0xa1: {  	v12 =	vld [tilespmem:s25+$0x0]  }
0xa2: {  	v13 =	vld [tilespmem:s25+$0x10]  }
0xa3: {  	v7 =	vld [tilespmem:s25+$0x8070]  }
0xa4: {  	v6 =	vld [tilespmem:s25+$0x20]  }
0xa5: {  	v5 =	vld [tilespmem:s25+$0x30]  }
0xa6: {  	v3 =	vld [tilespmem:s25+$0x40]  }
0xa7: {  	v2 =	vld [tilespmem:s25+$0x50]  }
0xa8: {  	[tilespmem:v4+s15+$0x0] =	vst.idx.add.f32.msk $0xffff, v7  }
0xa9: {  	v4 =	vld [tilespmem:s25+$0x60]  }
0xaa: {  	v14 =	vld [tilespmem:s25+$0x8000]  }
0xab: {  	v15 =	vld [tilespmem:s25+$0x8010]  }
0xac: {  	v11 =	vld [tilespmem:s25+$0x8020]  }
0xad: {  	v10 =	vld [tilespmem:s25+$0x8030]  }
.Ltmp4:
0xae: {  	v9 =	vld [tilespmem:s25+$0x8040];
	(pc) =	sbr.rel @p1 .LBB2_10-.Ltmp4, $4  }
0xaf: {  	v8 =	vld [tilespmem:s25+$0x8050]  }
0xb0: {  	v7 =	vld [tilespmem:s25+$0x8060]  }
0xb1: {  	[tilespmem:v12+s15+$0x0] =	vst.idx.add.f32.msk $0xffff, v14  }
0xb2: {  	[tilespmem:v13+s15+$0x0] =	vst.idx.add.f32.msk $0xffff, v15  }
0xb3: {  	_ =	sdelay $0x3  }
0xb4: {  	[tilespmem:v6+s15+$0x0] =	vst.idx.add.f32.msk $0xffff, v11  }
0xb5: {  	[tilespmem:v5+s15+$0x0] =	vst.idx.add.f32.msk $0xffff, v10  }
0xb6: {  	[tilespmem:v3+s15+$0x0] =	vst.idx.add.f32.msk $0xffff, v9  }
0xb7: {  	[tilespmem:v2+s15+$0x0] =	vst.idx.add.f32.msk $0xffff, v8  }
0xb8: {  	[tilespmem:v4+s15+$0x0] =	vst.idx.add.f32.msk $0xffff, v7  }
0xb9: {  	[spmem:s2] =	stream.indirect.scatter.add.f32 [tilespmem:s15], [sflag:$0x4], $0x80, s17, s16, $0xb8;
	[tilespmem:$0x1E200] =	vst v63  }
0xba: {  	_ =	swait.ge [sflag:s18], $0x10000  }
0xbb: {  	[sflag:s18] =	ssyncset.done $0x0  }
0xbc: {  	s23 =	sshll.u32 s4, $0x6;
	[sflag:s18] =	ssyncadd.s32 $0xFFFF0000  }
0xbd: {  	s23 =	sor.u32 $0x1C04, s23;
	[bflag:$0x0] =	sbarrier.arrive $0xFFFF  }
0xbe: {  	[hbm:s8], [sflag:s23] =	dma.local [spmem:s20], $0x200  }
0xbf: {  	s22 =	sadd.s32 $0x1, s22;
	_ =	swait.ge [sflag:s18], $0x200  }
0xc0: {  	p1 =	sne.s32 s22, s10;
	[sflag:s18] =	ssyncset.done $0x0  }
.Ltmp5:
0xc1: {  	[sflag:s18] =	ssyncadd.s32 $0xFFFFFE00;
	(pc) =	sbr.rel @p1 .LBB2_1-.Ltmp5, $4  }
0xc2: {  	[hbm:s9], [sflag:s23] =	dma.local [spmem:s21], $0x200  }
0xc3: {  	_ =	swait.ge [sflag:s18], $0x200  }
0xc4: {  	[sflag:s18] =	ssyncset.done $0x0  }
0xc5: {  	[sflag:s18] =	ssyncadd.s32 $0xFFFFFE00  }
0xc6: {  	_ =	sfence.sel $0x180000  }
0xc7: {  	[bflag:$0x0] =	sbarrier.arrive $0xFFFF  }
0xc8: {  	_ =	strace $0x90000047  }
0xc9: {  	s0 =	sadd.s32 @!p0 $0x100000, s0;
	[bflag:$0x2] =	sbarrier.arrive $0xFFFF  }
0xca: {  	[sflag:s0] =	ssyncadd.tile.s32 @!p0 $0x1;
	_ =	shalt  }
.Lfunc_end2:
_tile_overlayer_lowered:
.L_overlay_start_2:
0xcb: {  	(tag) =	ssettag $0x2  }
0xcc: {  	s0 =	rddreg [dreg:$0x0];
	s2 =	stileid.u32  }
0xcd: {  	s1 =	rddreg [dreg:$0x1];
	p0 =	sne.s32 s2, $0x0  }
0xce: {  	s3 =	rddreg [dreg:$0x2];
	[bflag:$0x3] =	sbarrier.arrive $0xFFFF;
	s2 =	simm.s32 @!p0 $0x1C04  }
0xcf: {  	[timem:s3], [sflag:s2] =	dma.local @!p0 [hbm:s0], s1  }
0xd0: {  	s0 =	simm.s32 @!p0 $0x4  }
0xd1: {  	_ =	swait.ge @!p0 [sflag:s0], s1  }
0xd2: {  	s1 =	ssub.s32 @!p0 $0x0, s1;
	[sflag:s0] =	ssyncset.done @!p0 $0x0  }
0xd3: {  	[sflag:s0] =	ssyncadd.s32 @!p0 s1  }
0xd4: {  	[bflag:$0x3] =	sbarrier.arrive $0xFFFF  }
0xd5: {  	_ =	shalt  }

</sc_bundles>
